<compile_context>
chip_gen: v7x
topology: tpu7x:2x2x1
jax: 0.10.2.dev20260603
libtpu: 0.0.44.dev20260713+nightly
codegen_flags: <defaults>
</compile_context>

<pallas_src>
import functools

import jax
import jax.numpy as jnp
from jax import lax
from jax.experimental import pallas as pl
from jax.experimental.pallas import tpu as pltpu
from jax.experimental.pallas import tpu_sc as plsc

T = 2048
D = 1024
E = 8
K = 2
FF = 1024
SFF = 2048
TM = 256
PAD = K * T + E * TM
NT = PAD // TM
BC = 512
LN = 128

NW = 32
PAIRS_PER_W = (K * T) // NW
TOK_PER_W = T // NW


DH = D // 2


def _pack16(a16):
    lu = lax.bitcast_convert_type(a16[:, :DH], jnp.uint16).astype(jnp.uint32)
    ru = lax.bitcast_convert_type(a16[:, DH:], jnp.uint16).astype(jnp.uint32)
    return lax.bitcast_convert_type(lu | (ru << 16), jnp.int32)


def _unpack16(p):
    u = lax.bitcast_convert_type(p, jnp.uint32)
    lo = lax.bitcast_convert_type((u & 0xFFFF).astype(jnp.uint16), jnp.bfloat16)
    hi = lax.bitcast_convert_type((u >> 16).astype(jnp.uint16), jnp.bfloat16)
    return jnp.concatenate([lo, hi], axis=1)


def _router_body(x_ref, wr_ref, logits_ref, meta_i_ref, meta_f_ref, eot_ref,
                 xpack_ref):
    xb = x_ref[...]
    xpack_ref[...] = _pack16(xb.astype(jnp.bfloat16))
    logits = jnp.dot(xb, wr_ref[...], preferred_element_type=jnp.float32)
    logits_ref[...] = logits

    lane = lax.broadcasted_iota(jnp.int32, (T, LN), 1)
    valid = lane < E
    l = jnp.where(valid, logits, -1e30)
    m = jnp.max(l, axis=1, keepdims=True)
    ex = jnp.where(valid, jnp.exp(l - m), 0.0)
    probs = ex / jnp.sum(ex, axis=1, keepdims=True)

    v0 = jnp.max(probs, axis=1, keepdims=True)
    i0 = jnp.min(jnp.where(probs == v0, lane, LN), axis=1, keepdims=True)
    p1 = jnp.where(lane == i0, -1.0, probs)
    v1 = jnp.max(p1, axis=1, keepdims=True)
    i1 = jnp.min(jnp.where(p1 == v1, lane, LN), axis=1, keepdims=True)
    sw = v0 + v1
    w0 = v0 / sw
    w1 = v1 / sw

    oh0 = ((lane == i0) & valid).astype(jnp.float32)
    oh1 = ((lane == i1) & valid).astype(jnp.float32)
    P = jnp.concatenate([oh0, oh1], axis=0)

    r = lax.broadcasted_iota(jnp.int32, (BC, BC), 0)
    c = lax.broadcasted_iota(jnp.int32, (BC, BC), 1)
    tri = (c < r).astype(jnp.float32)
    carry = jnp.zeros((1, LN), jnp.float32)
    pos_blocks = []
    for b in range(K * T // BC):
        Pb = P[b * BC:(b + 1) * BC]
        pos_blocks.append(
            jnp.dot(tri, Pb, preferred_element_type=jnp.float32) + carry)
        carry = carry + jnp.sum(Pb, axis=0, keepdims=True)
    pos = jnp.concatenate(pos_blocks, axis=0)
    counts = carry

    aligned = jnp.ceil(counts / TM) * TM
    lr = lax.broadcasted_iota(jnp.int32, (LN, LN), 0)
    lc = lax.broadcasted_iota(jnp.int32, (LN, LN), 1)
    triL = (lr < lc).astype(jnp.float32)
    al8 = jnp.broadcast_to(aligned, (8, LN))
    offs = jnp.dot(al8, triL, preferred_element_type=jnp.float32)[0:1]

    off_p = jnp.sum(P * offs, axis=1, keepdims=True)
    pos_p = jnp.sum(P * pos, axis=1, keepdims=True)
    slot = (off_p + pos_p).astype(jnp.int32)
    s0 = slot[:T]
    s1 = slot[T:]

    meta_i_ref[...] = jnp.where(
        lane < 1, i0, jnp.where(lane < 2, i1, jnp.where(lane < 3, s0, s1)))
    meta_f_ref[...] = jnp.where(lane < 1, w0, w1)

    jj = lax.broadcasted_iota(jnp.int32, (64, LN), 0).astype(jnp.float32) * TM
    lane2 = lax.broadcasted_iota(jnp.int32, (64, LN), 1)
    offb = jnp.broadcast_to(offs, (64, LN))
    alb = jnp.broadcast_to(aligned, (64, LN))
    tmask = (jj >= offb) & (jj < offb + alb) & (lane2 < E)
    ev = jnp.sum(lane2.astype(jnp.float32) * tmask.astype(jnp.float32),
                 axis=1, keepdims=True)
    cmask = (jnp.broadcast_to(counts, (64, LN)) > 0) & (lane2 < E)
    emax = jnp.max(jnp.where(cmask, lane2.astype(jnp.float32), 0.0),
                   axis=1, keepdims=True)
    used = jnp.max(tmask.astype(jnp.float32), axis=1, keepdims=True)
    evf = jnp.where(used > 0, ev, emax)
    eot_ref[...] = jnp.broadcast_to(evf.astype(jnp.int32), (64, LN))


def _make_router(interpret=False):
    return pl.pallas_call(
        _router_body,
        out_shape=[
            jax.ShapeDtypeStruct((T, LN), jnp.float32),
            jax.ShapeDtypeStruct((T, LN), jnp.int32),
            jax.ShapeDtypeStruct((T, LN), jnp.float32),
            jax.ShapeDtypeStruct((64, LN), jnp.int32),
            jax.ShapeDtypeStruct((T, DH), jnp.int32),
        ],
        interpret=interpret,
    )


def _ffn_body(eot_ref, first_ref, nexte_ref, hasnext_ref, par_ref,
              x_ref, wg_hbm, wu_hbm, wd_hbm, y_ref,
              wgb, wub, wdb, sg, su, sd):
    i = pl.program_id(0)
    e = eot_ref[i]
    pb = par_ref[i]

    @pl.when(i == 0)
    def _():
        pltpu.make_async_copy(wg_hbm.at[e], wgb.at[0], sg.at[0]).start()
        pltpu.make_async_copy(wu_hbm.at[e], wub.at[0], su.at[0]).start()
        pltpu.make_async_copy(wd_hbm.at[e], wdb.at[0], sd.at[0]).start()

    @pl.when((first_ref[i] == 1) & (hasnext_ref[i] == 1))
    def _():
        ne = nexte_ref[i]
        nb = 1 - pb
        pltpu.make_async_copy(wg_hbm.at[ne], wgb.at[nb], sg.at[nb]).start()
        pltpu.make_async_copy(wu_hbm.at[ne], wub.at[nb], su.at[nb]).start()
        pltpu.make_async_copy(wd_hbm.at[ne], wdb.at[nb], sd.at[nb]).start()

    @pl.when(first_ref[i] == 1)
    def _():
        pltpu.make_async_copy(wg_hbm.at[e], wgb.at[pb], sg.at[pb]).wait()
        pltpu.make_async_copy(wu_hbm.at[e], wub.at[pb], su.at[pb]).wait()
        pltpu.make_async_copy(wd_hbm.at[e], wdb.at[pb], sd.at[pb]).wait()

    xb = _unpack16(x_ref[...]).astype(jnp.float32)
    g = jnp.dot(xb, wgb[pb], preferred_element_type=jnp.float32)
    u = jnp.dot(xb, wub[pb], preferred_element_type=jnp.float32)
    h = g * lax.logistic(g) * u
    y = jnp.dot(h, wdb[pb], preferred_element_type=jnp.float32)
    y_ref[...] = _pack16(y.astype(jnp.bfloat16))


def _make_ffn(interpret=False):
    grid_spec = pltpu.PrefetchScalarGridSpec(
        num_scalar_prefetch=5,
        grid=(NT,),
        in_specs=[
            pl.BlockSpec((TM, DH), lambda i, *_: (i, 0)),
            pl.BlockSpec(memory_space=pltpu.MemorySpace.HBM),
            pl.BlockSpec(memory_space=pltpu.MemorySpace.HBM),
            pl.BlockSpec(memory_space=pltpu.MemorySpace.HBM),
        ],
        out_specs=pl.BlockSpec((TM, DH), lambda i, *_: (i, 0)),
        scratch_shapes=[
            pltpu.VMEM((2, D, FF), jnp.float32),
            pltpu.VMEM((2, D, FF), jnp.float32),
            pltpu.VMEM((2, FF, D), jnp.float32),
            pltpu.SemaphoreType.DMA((2,)),
            pltpu.SemaphoreType.DMA((2,)),
            pltpu.SemaphoreType.DMA((2,)),
        ],
    )
    return pl.pallas_call(
        _ffn_body,
        grid_spec=grid_spec,
        out_shape=jax.ShapeDtypeStruct((PAD, DH), jnp.int32),
        interpret=interpret,
    )


def _shared_body(x_ref, y0_ref, y1_ref, mf_ref, sg_ref, su_ref, sd_ref,
                 gw_ref, out_ref):
    xb = _unpack16(x_ref[...]).astype(jnp.float32)
    hg = jnp.dot(xb, sg_ref[...], preferred_element_type=jnp.float32)
    hu = jnp.dot(xb, su_ref[...], preferred_element_type=jnp.float32)
    act = hg * lax.logistic(hg) * hu
    sh = jnp.dot(act, sd_ref[...], preferred_element_type=jnp.float32)
    gate = lax.logistic(
        jnp.dot(xb, gw_ref[...], preferred_element_type=jnp.float32))[:, 0:1]
    w0 = mf_ref[:, 0:1]
    w1 = mf_ref[:, 1:2]
    y0 = _unpack16(y0_ref[...]).astype(jnp.float32)
    y1 = _unpack16(y1_ref[...]).astype(jnp.float32)
    out_ref[...] = w0 * y0 + w1 * y1 + gate * sh


TS = 256


def _make_shared(interpret=False):
    return pl.pallas_call(
        _shared_body,
        grid=(T // TS,),
        in_specs=[
            pl.BlockSpec((TS, DH), lambda i: (i, 0)),
            pl.BlockSpec((TS, DH), lambda i: (i, 0)),
            pl.BlockSpec((TS, DH), lambda i: (i, 0)),
            pl.BlockSpec((TS, LN), lambda i: (i, 0)),
            pl.BlockSpec((D, SFF), lambda i: (0, 0)),
            pl.BlockSpec((D, SFF), lambda i: (0, 0)),
            pl.BlockSpec((SFF, D), lambda i: (0, 0)),
            pl.BlockSpec((D, LN), lambda i: (0, 0)),
        ],
        out_specs=pl.BlockSpec((TS, D), lambda i: (i, 0)),
        out_shape=jax.ShapeDtypeStruct((T, D), jnp.float32),
        interpret=interpret,
    )


@functools.cache
def _sc_kernels():
    mesh = plsc.VectorSubcoreMesh(core_axis_name="c", subcore_axis_name="s")

    @functools.partial(
        pl.kernel,
        mesh=mesh,
        out_type=jax.ShapeDtypeStruct((PAD, DH), jnp.int32),
        scratch_types=[
            pltpu.VMEM((64,), jnp.int32),
            pltpu.VMEM((64, DH), jnp.int32),
            pltpu.SemaphoreType.DMA,
        ],
    )
    def sc_dispatch(xf_hbm, slots_hbm, xg_hbm, idx_v, rows_v, sem):
        wid = lax.axis_index("s") * 2 + lax.axis_index("c")
        tb = wid * TOK_PER_W
        pltpu.sync_copy(xf_hbm.at[pl.ds(tb, TOK_PER_W)], rows_v)
        pltpu.sync_copy(slots_hbm.at[pl.ds(tb, TOK_PER_W)], idx_v)
        pltpu.async_copy(rows_v, xg_hbm.at[idx_v], sem).wait()
        pltpu.sync_copy(slots_hbm.at[pl.ds(T + tb, TOK_PER_W)], idx_v)
        pltpu.async_copy(rows_v, xg_hbm.at[idx_v], sem).wait()

    @functools.partial(
        pl.kernel,
        mesh=mesh,
        out_type=(
            jax.ShapeDtypeStruct((T, DH), jnp.int32),
            jax.ShapeDtypeStruct((T, DH), jnp.int32),
        ),
        scratch_types=[
            pltpu.VMEM((TOK_PER_W,), jnp.int32),
            pltpu.VMEM((TOK_PER_W, DH), jnp.int32),
            pltpu.SemaphoreType.DMA,
        ],
    )
    def sc_gather(y_hbm, s0_hbm, s1_hbm, y0_hbm, y1_hbm, idx_v, buf_v, sem):
        wid = lax.axis_index("s") * 2 + lax.axis_index("c")
        tb = wid * TOK_PER_W
        pltpu.sync_copy(s0_hbm.at[pl.ds(tb, TOK_PER_W)], idx_v)
        pltpu.async_copy(y_hbm.at[idx_v], buf_v, sem).wait()
        pltpu.sync_copy(buf_v, y0_hbm.at[pl.ds(tb, TOK_PER_W)])
        pltpu.sync_copy(s1_hbm.at[pl.ds(tb, TOK_PER_W)], idx_v)
        pltpu.async_copy(y_hbm.at[idx_v], buf_v, sem).wait()
        pltpu.sync_copy(buf_v, y1_hbm.at[pl.ds(tb, TOK_PER_W)])

    return sc_dispatch, sc_gather


_ROUTER = _make_router()
_FFN = _make_ffn()
_SHARED = _make_shared()


def kernel(x, W_router, Wg, Wu, Wd, Sg, Su, Sd, gate_w):
    b, s, d = x.shape
    xf = x.reshape(s, d)
    wr_p = jnp.pad(W_router, ((0, 0), (0, LN - E)))
    gw_p = jnp.pad(gate_w, ((0, 0), (0, LN - 1)))

    logits128, meta_i, meta_f, eot128, xpack = _ROUTER(xf, wr_p)
    router_logits = logits128[:, :E]
    topi = jnp.stack([meta_i[:, 0], meta_i[:, 1]], axis=-1)
    slots = jnp.concatenate([meta_i[:, 2], meta_i[:, 3]])
    eot_vec = eot128[:NT, 0]

    eshift = jnp.concatenate([eot_vec[:1] - 1, eot_vec[:-1]])
    first = (eot_vec != eshift).astype(jnp.int32)
    gid = jnp.cumsum(first) - 1
    par = (gid % 2).astype(jnp.int32)
    idx = jnp.arange(NT, dtype=jnp.int32)
    bidx = jnp.where(first == 1, idx, NT)
    sufmin = lax.associative_scan(jnp.minimum, bidx[::-1])[::-1]
    nb_idx = jnp.concatenate([sufmin[1:], jnp.full((1,), NT, jnp.int32)])
    hasnext = (nb_idx < NT).astype(jnp.int32)
    nexte = eot_vec[jnp.clip(nb_idx, 0, NT - 1)]

    sc_dispatch, sc_gather = _sc_kernels()
    Xg = sc_dispatch(xpack, slots)
    Y = _FFN(eot_vec, first, nexte, hasnext, par, Xg, Wg, Wu, Wd)
    Y0, Y1 = sc_gather(Y, meta_i[:, 2], meta_i[:, 3])
    out = _SHARED(xpack, Y0, Y1, meta_f, Sg, Su, Sd, gw_p)
    return out.reshape(b, s, d), router_logits, topi

# --- scband reference (transcript-rebuilt; emitter-appended) ---
"""Pipeline reference for scband-qwen3-next-mo-e-59622736003405 (READ-ONLY COPY).

The authoritative reference and input builder live on the scoring server;
editing this copy changes nothing except your own understanding.
"""

import jax, jax.numpy as jnp
import numpy as np

B, S, D = 1, 2048, 1024
E, K, FF, SFF = 8, 2, 1024, 2048


def setup_inputs(seed: int = 0) -> dict:
    key = jax.random.key(seed)
    ks = jax.random.split(key, 9)
    s = 0.02
    return {
        "x": jax.random.normal(ks[0], (B, S, D), dtype=jnp.float32),
        "W_router": jax.random.normal(ks[1], (D, E), dtype=jnp.float32) * s,
        "Wg": jax.random.normal(ks[2], (E, D, FF), dtype=jnp.float32) * s,
        "Wu": jax.random.normal(ks[3], (E, D, FF), dtype=jnp.float32) * s,
        "Wd": jax.random.normal(ks[4], (E, FF, D), dtype=jnp.float32) * s,
        "Sg": jax.random.normal(ks[5], (D, SFF), dtype=jnp.float32) * s,
        "Su": jax.random.normal(ks[6], (D, SFF), dtype=jnp.float32) * s,
        "Sd": jax.random.normal(ks[7], (SFF, D), dtype=jnp.float32) * s,
        "gate_w": jax.random.normal(ks[8], (D, 1), dtype=jnp.float32) * s,
    }


def reference(x, W_router, Wg, Wu, Wd, Sg, Su, Sd, gate_w):
    b, s, d = x.shape
    xf = x.reshape(-1, d)
    # router
    router_logits = xf @ W_router
    probs = jax.nn.softmax(router_logits, axis=-1)
    topv, topi = jax.lax.top_k(probs, K)
    topv = topv / jnp.sum(topv, axis=-1, keepdims=True)
    # routed experts (dense all-expert compute, weighted combine = same math)
    g = jax.nn.silu(jnp.einsum('td,edf->etf', xf, Wg))
    u = jnp.einsum('td,edf->etf', xf, Wu)
    expert_out = jnp.einsum('etf,efd->etd', g * u, Wd)
    onehot = jax.nn.one_hot(topi, E, dtype=xf.dtype)  # [T, K, E]
    combine = jnp.sum(topv[..., None] * onehot, axis=1)  # [T, E]
    routed = jnp.einsum('te,etd->td', combine, expert_out)
    # gated shared expert (SwiGLU) with learned sigmoid gate
    shared = (jax.nn.silu(xf @ Sg) * (xf @ Su)) @ Sd
    gate = jax.nn.sigmoid(xf @ gate_w)
    out = (routed + gate * shared).reshape(b, s, d)
    return out, router_logits, topi

if __name__ == "__main__":
    import jax
    _d = setup_inputs()
    print(jax.jit(kernel)(*tuple(_d.values())))

</pallas_src>

<mosaic_0001>
#map = affine_map<(d0, d1) -> (0, 0)>
#map1 = affine_map<(d0, d1) -> (0)>
module attributes {stable_mosaic.version = 14 : i64} {
  func.func @sc_dispatch(%arg0: i32, %arg1: i32, %arg2: memref<2048x512xi32, #tpu.memory_space<hbm>>, %arg3: memref<4096xi32, #tpu.memory_space<hbm>>, %arg4: memref<6144x512xi32, #tpu.memory_space<hbm>>, %arg5: memref<64xi32, #tpu.memory_space<vmem>>, %arg6: memref<64x512xi32, #tpu.memory_space<vmem>>, %arg7: memref<!tpu.dma_semaphore, #tpu.memory_space<semaphore_mem>>) attributes {dimension_semantics = [#tpu.dimension_semantics<core_parallel>, #tpu.dimension_semantics<subcore_parallel>], iteration_bounds = array<i64: 2, 16>, scalar_prefetch = 0 : i64, scratch_operands = 3 : i64, tpu.core_type = #tpu.core_type<sc_vector_subcore>, window_params = [{transform_indices = #map}, {transform_indices = #map1}, {transform_indices = #map}]} {
    %mul3A = arith.constant 2 : i32
    %mul3A_0 = arith.muli %arg1, %mul3A : i32
    %add3A = arith.addi %mul3A_0, %arg0 : i32
    %mul3A_1 = arith.constant 64 : i32
    %mul3A_2 = arith.muli %add3A, %mul3A_1 : i32
    "tpu.region"() ({
      %run_scoped3A = tpu.sem_alloc : memref<!tpu.dma_semaphore, #tpu.memory_space<semaphore_mem>>
      %dma_start3A_15 = arith.constant 0 : i32
      %dma_start3A_16 = tpu.memref_slice %arg2[%mul3A_2, %dma_start3A_15] : memref<2048x512xi32, #tpu.memory_space<hbm>> -> memref<64x512xi32, #tpu.memory_space<hbm>>
      %dma_start3A_17 = arith.constant 0 : i32
      %dma_start3A_18 = tpu.memref_slice %arg2[%mul3A_2, %dma_start3A_17] : memref<2048x512xi32, #tpu.memory_space<hbm>> -> memref<64x512xi32, #tpu.memory_space<hbm>>
      tpu.enqueue_dma source(%dma_start3A_18 : memref<64x512xi32, #tpu.memory_space<hbm>>) target(%arg6 : memref<64x512xi32, #tpu.memory_space<vmem>>) target_semaphore(%run_scoped3A : memref<!tpu.dma_semaphore, #tpu.memory_space<semaphore_mem>>)
      %dma_wait3A_19 = arith.constant 0 : i32
      %dma_wait3A_20 = tpu.memref_slice %arg2[%mul3A_2, %dma_wait3A_19] : memref<2048x512xi32, #tpu.memory_space<hbm>> -> memref<64x512xi32, #tpu.memory_space<hbm>>
      %dma_wait3A_21 = arith.constant 0 : i32
      %dma_wait3A_22 = tpu.memref_slice %arg2[%mul3A_2, %dma_wait3A_21] : memref<2048x512xi32, #tpu.memory_space<hbm>> -> memref<64x512xi32, #tpu.memory_space<hbm>>
      tpu.wait_dma2 semaphore(%run_scoped3A : memref<!tpu.dma_semaphore, #tpu.memory_space<semaphore_mem>>) src(%dma_wait3A_22 : memref<64x512xi32, #tpu.memory_space<hbm>>) dst(%arg6 : memref<64x512xi32, #tpu.memory_space<vmem>>)
      tpu.yield
    }) : () -> ()
    "tpu.region"() ({
      %run_scoped3A = tpu.sem_alloc : memref<!tpu.dma_semaphore, #tpu.memory_space<semaphore_mem>>
      %dma_start3A_15 = tpu.memref_slice %arg3[%mul3A_2] : memref<4096xi32, #tpu.memory_space<hbm>> -> memref<64xi32, #tpu.memory_space<hbm>>
      %dma_start3A_16 = tpu.memref_slice %arg3[%mul3A_2] : memref<4096xi32, #tpu.memory_space<hbm>> -> memref<64xi32, #tpu.memory_space<hbm>>
      tpu.enqueue_dma source(%dma_start3A_16 : memref<64xi32, #tpu.memory_space<hbm>>) target(%arg5 : memref<64xi32, #tpu.memory_space<vmem>>) target_semaphore(%run_scoped3A : memref<!tpu.dma_semaphore, #tpu.memory_space<semaphore_mem>>)
      %dma_wait3A_17 = tpu.memref_slice %arg3[%mul3A_2] : memref<4096xi32, #tpu.memory_space<hbm>> -> memref<64xi32, #tpu.memory_space<hbm>>
      %dma_wait3A_18 = tpu.memref_slice %arg3[%mul3A_2] : memref<4096xi32, #tpu.memory_space<hbm>> -> memref<64xi32, #tpu.memory_space<hbm>>
      tpu.wait_dma2 semaphore(%run_scoped3A : memref<!tpu.dma_semaphore, #tpu.memory_space<semaphore_mem>>) src(%dma_wait3A_18 : memref<64xi32, #tpu.memory_space<hbm>>) dst(%arg5 : memref<64xi32, #tpu.memory_space<vmem>>)
      tpu.yield
    }) : () -> ()
    %dma_start3A = arith.constant 0 : i32
    %dma_start3A_3 = arith.constant 0 : i32
    %dma_start3A_4 = tpu.memref_slice %arg4[%dma_start3A, %dma_start3A_3] : memref<6144x512xi32, #tpu.memory_space<hbm>> -> memref<6144x512xi32, #tpu.memory_space<hbm>>
    tpu.enqueue_indirect_dma source(%arg6 : memref<64x512xi32, #tpu.memory_space<vmem>>) target(%dma_start3A_4 : memref<6144x512xi32, #tpu.memory_space<hbm>>) offsets(%arg5 : memref<64xi32, #tpu.memory_space<vmem>>) semaphore(%arg7 : memref<!tpu.dma_semaphore, #tpu.memory_space<semaphore_mem>>)
    %dma_wait3A = arith.constant 0 : i32
    %dma_wait3A_5 = arith.constant 0 : i32
    %dma_wait3A_6 = tpu.memref_slice %arg4[%dma_wait3A, %dma_wait3A_5] : memref<6144x512xi32, #tpu.memory_space<hbm>> -> memref<6144x512xi32, #tpu.memory_space<hbm>>
    tpu.wait_indirect_dma semaphore(%arg7 : memref<!tpu.dma_semaphore, #tpu.memory_space<semaphore_mem>>) src(%arg6 : memref<64x512xi32, #tpu.memory_space<vmem>>) dst(%dma_wait3A_6 : memref<6144x512xi32, #tpu.memory_space<hbm>>)
    %add3A_7 = arith.constant 2048 : i32
    %add3A_8 = arith.addi %add3A_7, %mul3A_2 : i32
    "tpu.region"() ({
      %run_scoped3A = tpu.sem_alloc : memref<!tpu.dma_semaphore, #tpu.memory_space<semaphore_mem>>
      %dma_start3A_15 = tpu.memref_slice %arg3[%add3A_8] : memref<4096xi32, #tpu.memory_space<hbm>> -> memref<64xi32, #tpu.memory_space<hbm>>
      %dma_start3A_16 = tpu.memref_slice %arg3[%add3A_8] : memref<4096xi32, #tpu.memory_space<hbm>> -> memref<64xi32, #tpu.memory_space<hbm>>
      tpu.enqueue_dma source(%dma_start3A_16 : memref<64xi32, #tpu.memory_space<hbm>>) target(%arg5 : memref<64xi32, #tpu.memory_space<vmem>>) target_semaphore(%run_scoped3A : memref<!tpu.dma_semaphore, #tpu.memory_space<semaphore_mem>>)
      %dma_wait3A_17 = tpu.memref_slice %arg3[%add3A_8] : memref<4096xi32, #tpu.memory_space<hbm>> -> memref<64xi32, #tpu.memory_space<hbm>>
      %dma_wait3A_18 = tpu.memref_slice %arg3[%add3A_8] : memref<4096xi32, #tpu.memory_space<hbm>> -> memref<64xi32, #tpu.memory_space<hbm>>
      tpu.wait_dma2 semaphore(%run_scoped3A : memref<!tpu.dma_semaphore, #tpu.memory_space<semaphore_mem>>) src(%dma_wait3A_18 : memref<64xi32, #tpu.memory_space<hbm>>) dst(%arg5 : memref<64xi32, #tpu.memory_space<vmem>>)
      tpu.yield
    }) : () -> ()
    %dma_start3A_9 = arith.constant 0 : i32
    %dma_start3A_10 = arith.constant 0 : i32
    %dma_start3A_11 = tpu.memref_slice %arg4[%dma_start3A_9, %dma_start3A_10] : memref<6144x512xi32, #tpu.memory_space<hbm>> -> memref<6144x512xi32, #tpu.memory_space<hbm>>
    tpu.enqueue_indirect_dma source(%arg6 : memref<64x512xi32, #tpu.memory_space<vmem>>) target(%dma_start3A_11 : memref<6144x512xi32, #tpu.memory_space<hbm>>) offsets(%arg5 : memref<64xi32, #tpu.memory_space<vmem>>) semaphore(%arg7 : memref<!tpu.dma_semaphore, #tpu.memory_space<semaphore_mem>>)
    %dma_wait3A_12 = arith.constant 0 : i32
    %dma_wait3A_13 = arith.constant 0 : i32
    %dma_wait3A_14 = tpu.memref_slice %arg4[%dma_wait3A_12, %dma_wait3A_13] : memref<6144x512xi32, #tpu.memory_space<hbm>> -> memref<6144x512xi32, #tpu.memory_space<hbm>>
    tpu.wait_indirect_dma semaphore(%arg7 : memref<!tpu.dma_semaphore, #tpu.memory_space<semaphore_mem>>) src(%arg6 : memref<64x512xi32, #tpu.memory_space<vmem>>) dst(%dma_wait3A_14 : memref<6144x512xi32, #tpu.memory_space<hbm>>)
    return
  }
}

#map = affine_map<(d0, d1) -> (0, 0)>
#map1 = affine_map<(d0, d1) -> (0)>
module attributes {stable_mosaic.version = 14 : i64} {
  func.func @sc_gather(%arg0: i32, %arg1: i32, %arg2: memref<6144x512xi32, #tpu.memory_space<hbm>>, %arg3: memref<2048xi32, #tpu.memory_space<hbm>>, %arg4: memref<2048xi32, #tpu.memory_space<hbm>>, %arg5: memref<2048x512xi32, #tpu.memory_space<hbm>>, %arg6: memref<2048x512xi32, #tpu.memory_space<hbm>>, %arg7: memref<64xi32, #tpu.memory_space<vmem>>, %arg8: memref<64x512xi32, #tpu.memory_space<vmem>>, %arg9: memref<!tpu.dma_semaphore, #tpu.memory_space<semaphore_mem>>) attributes {dimension_semantics = [#tpu.dimension_semantics<core_parallel>, #tpu.dimension_semantics<subcore_parallel>], iteration_bounds = array<i64: 2, 16>, scalar_prefetch = 0 : i64, scratch_operands = 3 : i64, tpu.core_type = #tpu.core_type<sc_vector_subcore>, window_params = [{transform_indices = #map}, {transform_indices = #map1}, {transform_indices = #map1}, {transform_indices = #map}, {transform_indices = #map}]} {
    %mul3A = arith.constant 2 : i32
    %mul3A_0 = arith.muli %arg1, %mul3A : i32
    %add3A = arith.addi %mul3A_0, %arg0 : i32
    %mul3A_1 = arith.constant 64 : i32
    %mul3A_2 = arith.muli %add3A, %mul3A_1 : i32
    "tpu.region"() ({
      %run_scoped3A = tpu.sem_alloc : memref<!tpu.dma_semaphore, #tpu.memory_space<semaphore_mem>>
      %dma_start3A_13 = tpu.memref_slice %arg3[%mul3A_2] : memref<2048xi32, #tpu.memory_space<hbm>> -> memref<64xi32, #tpu.memory_space<hbm>>
      %dma_start3A_14 = tpu.memref_slice %arg3[%mul3A_2] : memref<2048xi32, #tpu.memory_space<hbm>> -> memref<64xi32, #tpu.memory_space<hbm>>
      tpu.enqueue_dma source(%dma_start3A_14 : memref<64xi32, #tpu.memory_space<hbm>>) target(%arg7 : memref<64xi32, #tpu.memory_space<vmem>>) target_semaphore(%run_scoped3A : memref<!tpu.dma_semaphore, #tpu.memory_space<semaphore_mem>>)
      %dma_wait3A_15 = tpu.memref_slice %arg3[%mul3A_2] : memref<2048xi32, #tpu.memory_space<hbm>> -> memref<64xi32, #tpu.memory_space<hbm>>
      %dma_wait3A_16 = tpu.memref_slice %arg3[%mul3A_2] : memref<2048xi32, #tpu.memory_space<hbm>> -> memref<64xi32, #tpu.memory_space<hbm>>
      tpu.wait_dma2 semaphore(%run_scoped3A : memref<!tpu.dma_semaphore, #tpu.memory_space<semaphore_mem>>) src(%dma_wait3A_16 : memref<64xi32, #tpu.memory_space<hbm>>) dst(%arg7 : memref<64xi32, #tpu.memory_space<vmem>>)
      tpu.yield
    }) : () -> ()
    %dma_start3A = arith.constant 0 : i32
    %dma_start3A_3 = arith.constant 0 : i32
    %dma_start3A_4 = tpu.memref_slice %arg2[%dma_start3A, %dma_start3A_3] : memref<6144x512xi32, #tpu.memory_space<hbm>> -> memref<6144x512xi32, #tpu.memory_space<hbm>>
    tpu.enqueue_indirect_dma source(%dma_start3A_4 : memref<6144x512xi32, #tpu.memory_space<hbm>>) target(%arg8 : memref<64x512xi32, #tpu.memory_space<vmem>>) offsets(%arg7 : memref<64xi32, #tpu.memory_space<vmem>>) semaphore(%arg9 : memref<!tpu.dma_semaphore, #tpu.memory_space<semaphore_mem>>)
    %dma_wait3A = arith.constant 0 : i32
    %dma_wait3A_5 = arith.constant 0 : i32
    %dma_wait3A_6 = tpu.memref_slice %arg2[%dma_wait3A, %dma_wait3A_5] : memref<6144x512xi32, #tpu.memory_space<hbm>> -> memref<6144x512xi32, #tpu.memory_space<hbm>>
    tpu.wait_indirect_dma semaphore(%arg9 : memref<!tpu.dma_semaphore, #tpu.memory_space<semaphore_mem>>) src(%dma_wait3A_6 : memref<6144x512xi32, #tpu.memory_space<hbm>>) dst(%arg8 : memref<64x512xi32, #tpu.memory_space<vmem>>)
    "tpu.region"() ({
      %run_scoped3A = tpu.sem_alloc : memref<!tpu.dma_semaphore, #tpu.memory_space<semaphore_mem>>
      %dma_start3A_13 = arith.constant 0 : i32
      %dma_start3A_14 = tpu.memref_slice %arg5[%mul3A_2, %dma_start3A_13] : memref<2048x512xi32, #tpu.memory_space<hbm>> -> memref<64x512xi32, #tpu.memory_space<hbm>>
      %dma_start3A_15 = arith.constant 0 : i32
      %dma_start3A_16 = tpu.memref_slice %arg5[%mul3A_2, %dma_start3A_15] : memref<2048x512xi32, #tpu.memory_space<hbm>> -> memref<64x512xi32, #tpu.memory_space<hbm>>
      tpu.enqueue_dma source(%arg8 : memref<64x512xi32, #tpu.memory_space<vmem>>) target(%dma_start3A_16 : memref<64x512xi32, #tpu.memory_space<hbm>>) target_semaphore(%run_scoped3A : memref<!tpu.dma_semaphore, #tpu.memory_space<semaphore_mem>>)
      %dma_wait3A_17 = arith.constant 0 : i32
      %dma_wait3A_18 = tpu.memref_slice %arg5[%mul3A_2, %dma_wait3A_17] : memref<2048x512xi32, #tpu.memory_space<hbm>> -> memref<64x512xi32, #tpu.memory_space<hbm>>
      %dma_wait3A_19 = arith.constant 0 : i32
      %dma_wait3A_20 = tpu.memref_slice %arg5[%mul3A_2, %dma_wait3A_19] : memref<2048x512xi32, #tpu.memory_space<hbm>> -> memref<64x512xi32, #tpu.memory_space<hbm>>
      tpu.wait_dma2 semaphore(%run_scoped3A : memref<!tpu.dma_semaphore, #tpu.memory_space<semaphore_mem>>) src(%arg8 : memref<64x512xi32, #tpu.memory_space<vmem>>) dst(%dma_wait3A_20 : memref<64x512xi32, #tpu.memory_space<hbm>>)
      tpu.yield
    }) : () -> ()
    "tpu.region"() ({
      %run_scoped3A = tpu.sem_alloc : memref<!tpu.dma_semaphore, #tpu.memory_space<semaphore_mem>>
      %dma_start3A_13 = tpu.memref_slice %arg4[%mul3A_2] : memref<2048xi32, #tpu.memory_space<hbm>> -> memref<64xi32, #tpu.memory_space<hbm>>
      %dma_start3A_14 = tpu.memref_slice %arg4[%mul3A_2] : memref<2048xi32, #tpu.memory_space<hbm>> -> memref<64xi32, #tpu.memory_space<hbm>>
      tpu.enqueue_dma source(%dma_start3A_14 : memref<64xi32, #tpu.memory_space<hbm>>) target(%arg7 : memref<64xi32, #tpu.memory_space<vmem>>) target_semaphore(%run_scoped3A : memref<!tpu.dma_semaphore, #tpu.memory_space<semaphore_mem>>)
      %dma_wait3A_15 = tpu.memref_slice %arg4[%mul3A_2] : memref<2048xi32, #tpu.memory_space<hbm>> -> memref<64xi32, #tpu.memory_space<hbm>>
      %dma_wait3A_16 = tpu.memref_slice %arg4[%mul3A_2] : memref<2048xi32, #tpu.memory_space<hbm>> -> memref<64xi32, #tpu.memory_space<hbm>>
      tpu.wait_dma2 semaphore(%run_scoped3A : memref<!tpu.dma_semaphore, #tpu.memory_space<semaphore_mem>>) src(%dma_wait3A_16 : memref<64xi32, #tpu.memory_space<hbm>>) dst(%arg7 : memref<64xi32, #tpu.memory_space<vmem>>)
      tpu.yield
    }) : () -> ()
    %dma_start3A_7 = arith.constant 0 : i32
    %dma_start3A_8 = arith.constant 0 : i32
    %dma_start3A_9 = tpu.memref_slice %arg2[%dma_start3A_7, %dma_start3A_8] : memref<6144x512xi32, #tpu.memory_space<hbm>> -> memref<6144x512xi32, #tpu.memory_space<hbm>>
    tpu.enqueue_indirect_dma source(%dma_start3A_9 : memref<6144x512xi32, #tpu.memory_space<hbm>>) target(%arg8 : memref<64x512xi32, #tpu.memory_space<vmem>>) offsets(%arg7 : memref<64xi32, #tpu.memory_space<vmem>>) semaphore(%arg9 : memref<!tpu.dma_semaphore, #tpu.memory_space<semaphore_mem>>)
    %dma_wait3A_10 = arith.constant 0 : i32
    %dma_wait3A_11 = arith.constant 0 : i32
    %dma_wait3A_12 = tpu.memref_slice %arg2[%dma_wait3A_10, %dma_wait3A_11] : memref<6144x512xi32, #tpu.memory_space<hbm>> -> memref<6144x512xi32, #tpu.memory_space<hbm>>
    tpu.wait_indirect_dma semaphore(%arg9 : memref<!tpu.dma_semaphore, #tpu.memory_space<semaphore_mem>>) src(%dma_wait3A_12 : memref<6144x512xi32, #tpu.memory_space<hbm>>) dst(%arg8 : memref<64x512xi32, #tpu.memory_space<vmem>>)
    "tpu.region"() ({
      %run_scoped3A = tpu.sem_alloc : memref<!tpu.dma_semaphore, #tpu.memory_space<semaphore_mem>>
      %dma_start3A_13 = arith.constant 0 : i32
      %dma_start3A_14 = tpu.memref_slice %arg6[%mul3A_2, %dma_start3A_13] : memref<2048x512xi32, #tpu.memory_space<hbm>> -> memref<64x512xi32, #tpu.memory_space<hbm>>
      %dma_start3A_15 = arith.constant 0 : i32
      %dma_start3A_16 = tpu.memref_slice %arg6[%mul3A_2, %dma_start3A_15] : memref<2048x512xi32, #tpu.memory_space<hbm>> -> memref<64x512xi32, #tpu.memory_space<hbm>>
      tpu.enqueue_dma source(%arg8 : memref<64x512xi32, #tpu.memory_space<vmem>>) target(%dma_start3A_16 : memref<64x512xi32, #tpu.memory_space<hbm>>) target_semaphore(%run_scoped3A : memref<!tpu.dma_semaphore, #tpu.memory_space<semaphore_mem>>)
      %dma_wait3A_17 = arith.constant 0 : i32
      %dma_wait3A_18 = tpu.memref_slice %arg6[%mul3A_2, %dma_wait3A_17] : memref<2048x512xi32, #tpu.memory_space<hbm>> -> memref<64x512xi32, #tpu.memory_space<hbm>>
      %dma_wait3A_19 = arith.constant 0 : i32
      %dma_wait3A_20 = tpu.memref_slice %arg6[%mul3A_2, %dma_wait3A_19] : memref<2048x512xi32, #tpu.memory_space<hbm>> -> memref<64x512xi32, #tpu.memory_space<hbm>>
      tpu.wait_dma2 semaphore(%run_scoped3A : memref<!tpu.dma_semaphore, #tpu.memory_space<semaphore_mem>>) src(%arg8 : memref<64x512xi32, #tpu.memory_space<vmem>>) dst(%dma_wait3A_20 : memref<64x512xi32, #tpu.memory_space<hbm>>)
      tpu.yield
    }) : () -> ()
    return
  }
}

module attributes {stable_mosaic.version = 14 : i64} {
  func.func @_router_body(%arg0: memref<2048x1024xf32, #tpu.memory_space<vmem>>, %arg1: memref<1024x128xf32, #tpu.memory_space<vmem>>, %arg2: memref<2048x128xf32, #tpu.memory_space<vmem>>, %arg3: memref<2048x128xi32, #tpu.memory_space<vmem>>, %arg4: memref<2048x128xf32, #tpu.memory_space<vmem>>, %arg5: memref<64x128xi32, #tpu.memory_space<vmem>>, %arg6: memref<2048x512xi32, #tpu.memory_space<vmem>>) attributes {dimension_semantics = [], scalar_prefetch = 0 : i64, scratch_operands = 0 : i64, tpu.core_type = #tpu.core_type<tc>} {
    %get3A = arith.constant 0 : index
    %get3A_0 = arith.constant 0 : index
    %get3A_1 = vector.load %arg0[%get3A, %get3A_0] : memref<2048x1024xf32, #tpu.memory_space<vmem>>, vector<2048x1024xf32>
    %convert_element_type3A = arith.truncf %get3A_1 : vector<2048x1024xf32> to vector<2048x1024xbf16>
    %slice3A = vector.extract_strided_slice %convert_element_type3A {offsets = [0, 0], sizes = [2048, 512], strides = [1, 1]} : vector<2048x1024xbf16> to vector<2048x512xbf16>
    %bitcast_convert_type3A = tpu.bitcast %slice3A : vector<2048x512xbf16> -> vector<2048x512xi16>
    %convert_element_type3A_2 = arith.extui %bitcast_convert_type3A : vector<2048x512xi16> to vector<2048x512xi32>
    %slice3A_3 = vector.extract_strided_slice %convert_element_type3A {offsets = [0, 512], sizes = [2048, 512], strides = [1, 1]} : vector<2048x1024xbf16> to vector<2048x512xbf16>
    %bitcast_convert_type3A_4 = tpu.bitcast %slice3A_3 : vector<2048x512xbf16> -> vector<2048x512xi16>
    %convert_element_type3A_5 = arith.extui %bitcast_convert_type3A_4 : vector<2048x512xi16> to vector<2048x512xi32>
    %shift_left3A = arith.constant 16 : i32
    %shift_left3A_6 = vector.broadcast %shift_left3A : i32 to vector<2048x512xi32>
    %shift_left3A_7 = arith.shli %convert_element_type3A_5, %shift_left3A_6 : vector<2048x512xi32>
    %or3A = arith.ori %convert_element_type3A_2, %shift_left3A_7 : vector<2048x512xi32>
    %bitcast_convert_type3A_8 = tpu.bitcast %or3A : vector<2048x512xi32> -> vector<2048x512xi32>
    %swap3A = arith.constant 0 : index
    %swap3A_9 = arith.constant 0 : index
    %swap3A_10 = vector.load %arg6[%swap3A, %swap3A_9] : memref<2048x512xi32, #tpu.memory_space<vmem>>, vector<2048x512xi32>
    tpu.vector_store %arg6[%swap3A, %swap3A_9], %bitcast_convert_type3A_8 {strides = array<i32>} : memref<2048x512xi32, #tpu.memory_space<vmem>>, vector<2048x512xi32>,
    %get3A_11 = arith.constant 0 : index
    %get3A_12 = arith.constant 0 : index
    %get3A_13 = vector.load %arg1[%get3A_11, %get3A_12] : memref<1024x128xf32, #tpu.memory_space<vmem>>, vector<1024x128xf32>
    %dot_general3A = arith.constant dense<0.000000e+00> : vector<2048x128xf32>
    %dot_general3A_14 = tpu.matmul %get3A_1, %get3A_13, %dot_general3A {dimension_numbers = #tpu.dot_dimension_numbers<[1], [0], [0], [1], [0, 0, 1, 1], [], []>, transpose_lhs_hint = false} : vector<2048x1024xf32>, vector<1024x128xf32>, vector<2048x128xf32> -> vector<2048x128xf32>
    %swap3A_15 = arith.constant 0 : index
    %swap3A_16 = arith.constant 0 : index
    %swap3A_17 = vector.load %arg2[%swap3A_15, %swap3A_16] : memref<2048x128xf32, #tpu.memory_space<vmem>>, vector<2048x128xf32>
    tpu.vector_store %arg2[%swap3A_15, %swap3A_16], %dot_general3A_14 {strides = array<i32>} : memref<2048x128xf32, #tpu.memory_space<vmem>>, vector<2048x128xf32>,
    %iota3A = tpu.iota {dimensions = array<i32: 1>} : vector<2048x128xi32>
    %lt3A = arith.constant 8 : i32
    %lt3A_18 = vector.broadcast %lt3A : i32 to vector<2048x128xi32>
    %lt3A_19 = arith.cmpi slt, %iota3A, %lt3A_18 : vector<2048x128xi32>
    %jit3A = arith.constant -1.000000e+30 : f32
    %broadcast_in_dim3A = vector.broadcast %jit3A : f32 to vector<2048x128xf32>
    %select_n3A = arith.select %lt3A_19, %dot_general3A_14, %broadcast_in_dim3A : vector<2048x128xi1>, vector<2048x128xf32>
    %reduce_max3A = arith.constant dense<0xFF800000> : vector<2048xf32>
    %reduce_max3A_20 = vector.multi_reduction <maximumf>, %select_n3A, %reduce_max3A [1] : vector<2048x128xf32> to vector<2048xf32>
    %broadcast_in_dim3A_21 = vector.shape_cast %reduce_max3A_20 : vector<2048xf32> to vector<2048x1xf32>
    %sub3A = vector.broadcast %broadcast_in_dim3A_21 : vector<2048x1xf32> to vector<2048x128xf32>
    %sub3A_22 = arith.subf %select_n3A, %sub3A : vector<2048x128xf32>
    %exp3A = math.exp %sub3A_22 : vector<2048x128xf32>
    %jit3A_23 = arith.constant 0.000000e+00 : f32
    %broadcast_in_dim3A_24 = vector.broadcast %jit3A_23 : f32 to vector<2048x128xf32>
    %select_n3A_25 = arith.select %lt3A_19, %exp3A, %broadcast_in_dim3A_24 : vector<2048x128xi1>, vector<2048x128xf32>
    %reduce_sum3A = arith.constant dense<0.000000e+00> : vector<2048xf32>
    %reduce_sum3A_26 = vector.multi_reduction <add>, %select_n3A_25, %reduce_sum3A [1] : vector<2048x128xf32> to vector<2048xf32>
    %broadcast_in_dim3A_27 = vector.shape_cast %reduce_sum3A_26 : vector<2048xf32> to vector<2048x1xf32>
    %div3A = vector.broadcast %broadcast_in_dim3A_27 : vector<2048x1xf32> to vector<2048x128xf32>
    %div3A_28 = arith.divf %select_n3A_25, %div3A : vector<2048x128xf32>
    %reduce_max3A_29 = arith.constant dense<0xFF800000> : vector<2048xf32>
    %reduce_max3A_30 = vector.multi_reduction <maximumf>, %div3A_28, %reduce_max3A_29 [1] : vector<2048x128xf32> to vector<2048xf32>
    %broadcast_in_dim3A_31 = vector.shape_cast %reduce_max3A_30 : vector<2048xf32> to vector<2048x1xf32>
    %eq3A = vector.broadcast %broadcast_in_dim3A_31 : vector<2048x1xf32> to vector<2048x128xf32>
    %eq3A_32 = arith.cmpf oeq, %div3A_28, %eq3A : vector<2048x128xf32>
    %jit3A_33 = arith.constant 128 : i32
    %broadcast_in_dim3A_34 = vector.broadcast %jit3A_33 : i32 to vector<2048x128xi32>
    %select_n3A_35 = arith.select %eq3A_32, %iota3A, %broadcast_in_dim3A_34 : vector<2048x128xi1>, vector<2048x128xi32>
    %reduce_min3A = arith.constant dense<2147483647> : vector<2048xi32>
    %reduce_min3A_36 = vector.multi_reduction <minsi>, %select_n3A_35, %reduce_min3A [1] : vector<2048x128xi32> to vector<2048xi32>
    %broadcast_in_dim3A_37 = vector.shape_cast %reduce_min3A_36 : vector<2048xi32> to vector<2048x1xi32>
    %eq3A_38 = vector.broadcast %broadcast_in_dim3A_37 : vector<2048x1xi32> to vector<2048x128xi32>
    %eq3A_39 = arith.cmpi eq, %iota3A, %eq3A_38 : vector<2048x128xi32>
    %jit3A_40 = arith.constant -1.000000e+00 : f32
    %broadcast_in_dim3A_41 = vector.broadcast %jit3A_40 : f32 to vector<2048x128xf32>
    %select_n3A_42 = arith.select %eq3A_39, %broadcast_in_dim3A_41, %div3A_28 : vector<2048x128xi1>, vector<2048x128xf32>
    %reduce_max3A_43 = arith.constant dense<0xFF800000> : vector<2048xf32>
    %reduce_max3A_44 = vector.multi_reduction <maximumf>, %select_n3A_42, %reduce_max3A_43 [1] : vector<2048x128xf32> to vector<2048xf32>
    %broadcast_in_dim3A_45 = vector.shape_cast %reduce_max3A_44 : vector<2048xf32> to vector<2048x1xf32>
    %eq3A_46 = vector.broadcast %broadcast_in_dim3A_45 : vector<2048x1xf32> to vector<2048x128xf32>
    %eq3A_47 = arith.cmpf oeq, %select_n3A_42, %eq3A_46 : vector<2048x128xf32>
    %jit3A_48 = arith.constant 128 : i32
    %broadcast_in_dim3A_49 = vector.broadcast %jit3A_48 : i32 to vector<2048x128xi32>
    %select_n3A_50 = arith.select %eq3A_47, %iota3A, %broadcast_in_dim3A_49 : vector<2048x128xi1>, vector<2048x128xi32>
    %reduce_min3A_51 = arith.constant dense<2147483647> : vector<2048xi32>
    %reduce_min3A_52 = vector.multi_reduction <minsi>, %select_n3A_50, %reduce_min3A_51 [1] : vector<2048x128xi32> to vector<2048xi32>
    %broadcast_in_dim3A_53 = vector.shape_cast %reduce_min3A_52 : vector<2048xi32> to vector<2048x1xi32>
    %add3A = arith.addf %broadcast_in_dim3A_31, %broadcast_in_dim3A_45 : vector<2048x1xf32>
    %div3A_54 = arith.divf %broadcast_in_dim3A_31, %add3A : vector<2048x1xf32>
    %div3A_55 = arith.divf %broadcast_in_dim3A_45, %add3A : vector<2048x1xf32>
    %eq3A_56 = vector.broadcast %broadcast_in_dim3A_37 : vector<2048x1xi32> to vector<2048x128xi32>
    %eq3A_57 = arith.cmpi eq, %iota3A, %eq3A_56 : vector<2048x128xi32>
    %and3A = arith.andi %eq3A_57, %lt3A_19 : vector<2048x128xi1>
    %convert_element_type3A_58 = arith.extui %and3A : vector<2048x128xi1> to vector<2048x128xi32>
    %convert_element_type3A_59 = arith.sitofp %convert_element_type3A_58 : vector<2048x128xi32> to vector<2048x128xf32>
    %eq3A_60 = vector.broadcast %broadcast_in_dim3A_53 : vector<2048x1xi32> to vector<2048x128xi32>
    %eq3A_61 = arith.cmpi eq, %iota3A, %eq3A_60 : vector<2048x128xi32>
    %and3A_62 = arith.andi %eq3A_61, %lt3A_19 : vector<2048x128xi1>
    %convert_element_type3A_63 = arith.extui %and3A_62 : vector<2048x128xi1> to vector<2048x128xi32>
    %convert_element_type3A_64 = arith.sitofp %convert_element_type3A_63 : vector<2048x128xi32> to vector<2048x128xf32>
    %concatenate3A = tpu.concatenate %convert_element_type3A_59, %convert_element_type3A_64 in 0 : vector<2048x128xf32>, vector<2048x128xf32> -> vector<4096x128xf32>
    %iota3A_65 = tpu.iota {dimensions = array<i32: 0>} : vector<512x512xi32>
    %iota3A_66 = tpu.iota {dimensions = array<i32: 1>} : vector<512x512xi32>
    %lt3A_67 = arith.cmpi slt, %iota3A_66, %iota3A_65 : vector<512x512xi32>
    %convert_element_type3A_68 = arith.extui %lt3A_67 : vector<512x512xi1> to vector<512x512xi32>
    %convert_element_type3A_69 = arith.sitofp %convert_element_type3A_68 : vector<512x512xi32> to vector<512x512xf32>
    %broadcast_in_dim3A_70 = arith.constant 0.000000e+00 : f32
    %broadcast_in_dim3A_71 = vector.broadcast %broadcast_in_dim3A_70 : f32 to vector<1x128xf32>
    %slice3A_72 = vector.extract_strided_slice %concatenate3A {offsets = [0, 0], sizes = [512, 128], strides = [1, 1]} : vector<4096x128xf32> to vector<512x128xf32>
    %dot_general3A_73 = arith.constant dense<0.000000e+00> : vector<512x128xf32>
    %dot_general3A_74 = tpu.matmul %convert_element_type3A_69, %slice3A_72, %dot_general3A_73 {dimension_numbers = #tpu.dot_dimension_numbers<[1], [0], [0], [1], [0, 0, 1, 1], [], []>, transpose_lhs_hint = false} : vector<512x512xf32>, vector<512x128xf32>, vector<512x128xf32> -> vector<512x128xf32>
    %add3A_75 = vector.broadcast %broadcast_in_dim3A_71 : vector<1x128xf32> to vector<512x128xf32>
    %add3A_76 = arith.addf %dot_general3A_74, %add3A_75 : vector<512x128xf32>
    %reduce_sum3A_77 = arith.constant dense<0.000000e+00> : vector<128xf32>
    %reduce_sum3A_78 = vector.multi_reduction <add>, %slice3A_72, %reduce_sum3A_77 [0] : vector<512x128xf32> to vector<128xf32>
    %broadcast_in_dim3A_79 = vector.shape_cast %reduce_sum3A_78 : vector<128xf32> to vector<1x128xf32>
    %add3A_80 = arith.addf %broadcast_in_dim3A_71, %broadcast_in_dim3A_79 : vector<1x128xf32>
    %slice3A_81 = vector.extract_strided_slice %concatenate3A {offsets = [512, 0], sizes = [512, 128], strides = [1, 1]} : vector<4096x128xf32> to vector<512x128xf32>
    %dot_general3A_82 = arith.constant dense<0.000000e+00> : vector<512x128xf32>
    %dot_general3A_83 = tpu.matmul %convert_element_type3A_69, %slice3A_81, %dot_general3A_82 {dimension_numbers = #tpu.dot_dimension_numbers<[1], [0], [0], [1], [0, 0, 1, 1], [], []>, transpose_lhs_hint = false} : vector<512x512xf32>, vector<512x128xf32>, vector<512x128xf32> -> vector<512x128xf32>
    %add3A_84 = vector.broadcast %add3A_80 : vector<1x128xf32> to vector<512x128xf32>
    %add3A_85 = arith.addf %dot_general3A_83, %add3A_84 : vector<512x128xf32>
    %reduce_sum3A_86 = arith.constant dense<0.000000e+00> : vector<128xf32>
    %reduce_sum3A_87 = vector.multi_reduction <add>, %slice3A_81, %reduce_sum3A_86 [0] : vector<512x128xf32> to vector<128xf32>
    %broadcast_in_dim3A_88 = vector.shape_cast %reduce_sum3A_87 : vector<128xf32> to vector<1x128xf32>
    %add3A_89 = arith.addf %add3A_80, %broadcast_in_dim3A_88 : vector<1x128xf32>
    %slice3A_90 = vector.extract_strided_slice %concatenate3A {offsets = [1024, 0], sizes = [512, 128], strides = [1, 1]} : vector<4096x128xf32> to vector<512x128xf32>
    %dot_general3A_91 = arith.constant dense<0.000000e+00> : vector<512x128xf32>
    %dot_general3A_92 = tpu.matmul %convert_element_type3A_69, %slice3A_90, %dot_general3A_91 {dimension_numbers = #tpu.dot_dimension_numbers<[1], [0], [0], [1], [0, 0, 1, 1], [], []>, transpose_lhs_hint = false} : vector<512x512xf32>, vector<512x128xf32>, vector<512x128xf32> -> vector<512x128xf32>
    %add3A_93 = vector.broadcast %add3A_89 : vector<1x128xf32> to vector<512x128xf32>
    %add3A_94 = arith.addf %dot_general3A_92, %add3A_93 : vector<512x128xf32>
    %reduce_sum3A_95 = arith.constant dense<0.000000e+00> : vector<128xf32>
    %reduce_sum3A_96 = vector.multi_reduction <add>, %slice3A_90, %reduce_sum3A_95 [0] : vector<512x128xf32> to vector<128xf32>
    %broadcast_in_dim3A_97 = vector.shape_cast %reduce_sum3A_96 : vector<128xf32> to vector<1x128xf32>
    %add3A_98 = arith.addf %add3A_89, %broadcast_in_dim3A_97 : vector<1x128xf32>
    %slice3A_99 = vector.extract_strided_slice %concatenate3A {offsets = [1536, 0], sizes = [512, 128], strides = [1, 1]} : vector<4096x128xf32> to vector<512x128xf32>
    %dot_general3A_100 = arith.constant dense<0.000000e+00> : vector<512x128xf32>
    %dot_general3A_101 = tpu.matmul %convert_element_type3A_69, %slice3A_99, %dot_general3A_100 {dimension_numbers = #tpu.dot_dimension_numbers<[1], [0], [0], [1], [0, 0, 1, 1], [], []>, transpose_lhs_hint = false} : vector<512x512xf32>, vector<512x128xf32>, vector<512x128xf32> -> vector<512x128xf32>
    %add3A_102 = vector.broadcast %add3A_98 : vector<1x128xf32> to vector<512x128xf32>
    %add3A_103 = arith.addf %dot_general3A_101, %add3A_102 : vector<512x128xf32>
    %reduce_sum3A_104 = arith.constant dense<0.000000e+00> : vector<128xf32>
    %reduce_sum3A_105 = vector.multi_reduction <add>, %slice3A_99, %reduce_sum3A_104 [0] : vector<512x128xf32> to vector<128xf32>
    %broadcast_in_dim3A_106 = vector.shape_cast %reduce_sum3A_105 : vector<128xf32> to vector<1x128xf32>
    %add3A_107 = arith.addf %add3A_98, %broadcast_in_dim3A_106 : vector<1x128xf32>
    %slice3A_108 = vector.extract_strided_slice %concatenate3A {offsets = [2048, 0], sizes = [512, 128], strides = [1, 1]} : vector<4096x128xf32> to vector<512x128xf32>
    %dot_general3A_109 = arith.constant dense<0.000000e+00> : vector<512x128xf32>
    %dot_general3A_110 = tpu.matmul %convert_element_type3A_69, %slice3A_108, %dot_general3A_109 {dimension_numbers = #tpu.dot_dimension_numbers<[1], [0], [0], [1], [0, 0, 1, 1], [], []>, transpose_lhs_hint = false} : vector<512x512xf32>, vector<512x128xf32>, vector<512x128xf32> -> vector<512x128xf32>
    %add3A_111 = vector.broadcast %add3A_107 : vector<1x128xf32> to vector<512x128xf32>
    %add3A_112 = arith.addf %dot_general3A_110, %add3A_111 : vector<512x128xf32>
    %reduce_sum3A_113 = arith.constant dense<0.000000e+00> : vector<128xf32>
    %reduce_sum3A_114 = vector.multi_reduction <add>, %slice3A_108, %reduce_sum3A_113 [0] : vector<512x128xf32> to vector<128xf32>
    %broadcast_in_dim3A_115 = vector.shape_cast %reduce_sum3A_114 : vector<128xf32> to vector<1x128xf32>
    %add3A_116 = arith.addf %add3A_107, %broadcast_in_dim3A_115 : vector<1x128xf32>
    %slice3A_117 = vector.extract_strided_slice %concatenate3A {offsets = [2560, 0], sizes = [512, 128], strides = [1, 1]} : vector<4096x128xf32> to vector<512x128xf32>
    %dot_general3A_118 = arith.constant dense<0.000000e+00> : vector<512x128xf32>
    %dot_general3A_119 = tpu.matmul %convert_element_type3A_69, %slice3A_117, %dot_general3A_118 {dimension_numbers = #tpu.dot_dimension_numbers<[1], [0], [0], [1], [0, 0, 1, 1], [], []>, transpose_lhs_hint = false} : vector<512x512xf32>, vector<512x128xf32>, vector<512x128xf32> -> vector<512x128xf32>
    %add3A_120 = vector.broadcast %add3A_116 : vector<1x128xf32> to vector<512x128xf32>
    %add3A_121 = arith.addf %dot_general3A_119, %add3A_120 : vector<512x128xf32>
    %reduce_sum3A_122 = arith.constant dense<0.000000e+00> : vector<128xf32>
    %reduce_sum3A_123 = vector.multi_reduction <add>, %slice3A_117, %reduce_sum3A_122 [0] : vector<512x128xf32> to vector<128xf32>
    %broadcast_in_dim3A_124 = vector.shape_cast %reduce_sum3A_123 : vector<128xf32> to vector<1x128xf32>
    %add3A_125 = arith.addf %add3A_116, %broadcast_in_dim3A_124 : vector<1x128xf32>
    %slice3A_126 = vector.extract_strided_slice %concatenate3A {offsets = [3072, 0], sizes = [512, 128], strides = [1, 1]} : vector<4096x128xf32> to vector<512x128xf32>
    %dot_general3A_127 = arith.constant dense<0.000000e+00> : vector<512x128xf32>
    %dot_general3A_128 = tpu.matmul %convert_element_type3A_69, %slice3A_126, %dot_general3A_127 {dimension_numbers = #tpu.dot_dimension_numbers<[1], [0], [0], [1], [0, 0, 1, 1], [], []>, transpose_lhs_hint = false} : vector<512x512xf32>, vector<512x128xf32>, vector<512x128xf32> -> vector<512x128xf32>
    %add3A_129 = vector.broadcast %add3A_125 : vector<1x128xf32> to vector<512x128xf32>
    %add3A_130 = arith.addf %dot_general3A_128, %add3A_129 : vector<512x128xf32>
    %reduce_sum3A_131 = arith.constant dense<0.000000e+00> : vector<128xf32>
    %reduce_sum3A_132 = vector.multi_reduction <add>, %slice3A_126, %reduce_sum3A_131 [0] : vector<512x128xf32> to vector<128xf32>
    %broadcast_in_dim3A_133 = vector.shape_cast %reduce_sum3A_132 : vector<128xf32> to vector<1x128xf32>
    %add3A_134 = arith.addf %add3A_125, %broadcast_in_dim3A_133 : vector<1x128xf32>
    %slice3A_135 = vector.extract_strided_slice %concatenate3A {offsets = [3584, 0], sizes = [512, 128], strides = [1, 1]} : vector<4096x128xf32> to vector<512x128xf32>
    %dot_general3A_136 = arith.constant dense<0.000000e+00> : vector<512x128xf32>
    %dot_general3A_137 = tpu.matmul %convert_element_type3A_69, %slice3A_135, %dot_general3A_136 {dimension_numbers = #tpu.dot_dimension_numbers<[1], [0], [0], [1], [0, 0, 1, 1], [], []>, transpose_lhs_hint = false} : vector<512x512xf32>, vector<512x128xf32>, vector<512x128xf32> -> vector<512x128xf32>
    %add3A_138 = vector.broadcast %add3A_134 : vector<1x128xf32> to vector<512x128xf32>
    %add3A_139 = arith.addf %dot_general3A_137, %add3A_138 : vector<512x128xf32>
    %reduce_sum3A_140 = arith.constant dense<0.000000e+00> : vector<128xf32>
    %reduce_sum3A_141 = vector.multi_reduction <add>, %slice3A_135, %reduce_sum3A_140 [0] : vector<512x128xf32> to vector<128xf32>
    %broadcast_in_dim3A_142 = vector.shape_cast %reduce_sum3A_141 : vector<128xf32> to vector<1x128xf32>
    %add3A_143 = arith.addf %add3A_134, %broadcast_in_dim3A_142 : vector<1x128xf32>
    %concatenate3A_144 = tpu.concatenate %add3A_76, %add3A_85, %add3A_94, %add3A_103, %add3A_112, %add3A_121, %add3A_130, %add3A_139 in 0 : vector<512x128xf32>, vector<512x128xf32>, vector<512x128xf32>, vector<512x128xf32>, vector<512x128xf32>, vector<512x128xf32>, vector<512x128xf32>, vector<512x128xf32> -> vector<4096x128xf32>
    %div3A_145 = arith.constant 2.560000e+02 : f32
    %div3A_146 = vector.broadcast %div3A_145 : f32 to vector<1x128xf32>
    %div3A_147 = arith.divf %add3A_143, %div3A_146 : vector<1x128xf32>
    %ceil3A = math.ceil %div3A_147 : vector<1x128xf32>
    %mul3A = arith.constant 2.560000e+02 : f32
    %mul3A_148 = vector.broadcast %mul3A : f32 to vector<1x128xf32>
    %mul3A_149 = arith.mulf %ceil3A, %mul3A_148 : vector<1x128xf32>
    %iota3A_150 = tpu.iota {dimensions = array<i32: 0>} : vector<128x128xi32>
    %iota3A_151 = tpu.iota {dimensions = array<i32: 1>} : vector<128x128xi32>
    %lt3A_152 = arith.cmpi slt, %iota3A_150, %iota3A_151 : vector<128x128xi32>
    %convert_element_type3A_153 = arith.extui %lt3A_152 : vector<128x128xi1> to vector<128x128xi32>
    %convert_element_type3A_154 = arith.sitofp %convert_element_type3A_153 : vector<128x128xi32> to vector<128x128xf32>
    %broadcast_in_dim3A_155 = vector.shape_cast %mul3A_149 : vector<1x128xf32> to vector<1x128xf32>
    %broadcast_in_dim3A_156 = vector.broadcast %broadcast_in_dim3A_155 : vector<1x128xf32> to vector<8x128xf32>
    %dot_general3A_157 = arith.constant dense<0.000000e+00> : vector<8x128xf32>
    %dot_general3A_158 = tpu.matmul %broadcast_in_dim3A_156, %convert_element_type3A_154, %dot_general3A_157 {dimension_numbers = #tpu.dot_dimension_numbers<[1], [0], [0], [1], [0, 0, 1, 1], [], []>, transpose_lhs_hint = false} : vector<8x128xf32>, vector<128x128xf32>, vector<8x128xf32> -> vector<8x128xf32>
    %slice3A_159 = vector.extract_strided_slice %dot_general3A_158 {offsets = [0, 0], sizes = [1, 128], strides = [1, 1]} : vector<8x128xf32> to vector<1x128xf32>
    %mul3A_160 = vector.broadcast %slice3A_159 : vector<1x128xf32> to vector<4096x128xf32>
    %mul3A_161 = arith.mulf %concatenate3A, %mul3A_160 : vector<4096x128xf32>
    %reduce_sum3A_162 = arith.constant dense<0.000000e+00> : vector<4096xf32>
    %reduce_sum3A_163 = vector.multi_reduction <add>, %mul3A_161, %reduce_sum3A_162 [1] : vector<4096x128xf32> to vector<4096xf32>
    %broadcast_in_dim3A_164 = vector.shape_cast %reduce_sum3A_163 : vector<4096xf32> to vector<4096x1xf32>
    %mul3A_165 = arith.mulf %concatenate3A, %concatenate3A_144 : vector<4096x128xf32>
    %reduce_sum3A_166 = arith.constant dense<0.000000e+00> : vector<4096xf32>
    %reduce_sum3A_167 = vector.multi_reduction <add>, %mul3A_165, %reduce_sum3A_166 [1] : vector<4096x128xf32> to vector<4096xf32>
    %broadcast_in_dim3A_168 = vector.shape_cast %reduce_sum3A_167 : vector<4096xf32> to vector<4096x1xf32>
    %add3A_169 = arith.addf %broadcast_in_dim3A_164, %broadcast_in_dim3A_168 : vector<4096x1xf32>
    %convert_element_type3A_170 = arith.fptosi %add3A_169 : vector<4096x1xf32> to vector<4096x1xi32>
    %slice3A_171 = vector.extract_strided_slice %convert_element_type3A_170 {offsets = [0, 0], sizes = [2048, 1], strides = [1, 1]} : vector<4096x1xi32> to vector<2048x1xi32>
    %slice3A_172 = vector.extract_strided_slice %convert_element_type3A_170 {offsets = [2048, 0], sizes = [2048, 1], strides = [1, 1]} : vector<4096x1xi32> to vector<2048x1xi32>
    %lt3A_173 = arith.constant 1 : i32
    %lt3A_174 = vector.broadcast %lt3A_173 : i32 to vector<2048x128xi32>
    %lt3A_175 = arith.cmpi slt, %iota3A, %lt3A_174 : vector<2048x128xi32>
    %lt3A_176 = arith.constant 2 : i32
    %lt3A_177 = vector.broadcast %lt3A_176 : i32 to vector<2048x128xi32>
    %lt3A_178 = arith.cmpi slt, %iota3A, %lt3A_177 : vector<2048x128xi32>
    %lt3A_179 = arith.constant 3 : i32
    %lt3A_180 = vector.broadcast %lt3A_179 : i32 to vector<2048x128xi32>
    %lt3A_181 = arith.cmpi slt, %iota3A, %lt3A_180 : vector<2048x128xi32>
    %broadcast_in_dim3A_182 = vector.shape_cast %slice3A_171 : vector<2048x1xi32> to vector<2048x1xi32>
    %broadcast_in_dim3A_183 = vector.broadcast %broadcast_in_dim3A_182 : vector<2048x1xi32> to vector<2048x128xi32>
    %broadcast_in_dim3A_184 = vector.shape_cast %slice3A_172 : vector<2048x1xi32> to vector<2048x1xi32>
    %broadcast_in_dim3A_185 = vector.broadcast %broadcast_in_dim3A_184 : vector<2048x1xi32> to vector<2048x128xi32>
    %select_n3A_186 = arith.select %lt3A_181, %broadcast_in_dim3A_183, %broadcast_in_dim3A_185 : vector<2048x128xi1>, vector<2048x128xi32>
    %broadcast_in_dim3A_187 = vector.shape_cast %broadcast_in_dim3A_53 : vector<2048x1xi32> to vector<2048x1xi32>
    %broadcast_in_dim3A_188 = vector.broadcast %broadcast_in_dim3A_187 : vector<2048x1xi32> to vector<2048x128xi32>
    %select_n3A_189 = arith.select %lt3A_178, %broadcast_in_dim3A_188, %select_n3A_186 : vector<2048x128xi1>, vector<2048x128xi32>
    %broadcast_in_dim3A_190 = vector.shape_cast %broadcast_in_dim3A_37 : vector<2048x1xi32> to vector<2048x1xi32>
    %broadcast_in_dim3A_191 = vector.broadcast %broadcast_in_dim3A_190 : vector<2048x1xi32> to vector<2048x128xi32>
    %select_n3A_192 = arith.select %lt3A_175, %broadcast_in_dim3A_191, %select_n3A_189 : vector<2048x128xi1>, vector<2048x128xi32>
    %swap3A_193 = arith.constant 0 : index
    %swap3A_194 = arith.constant 0 : index
    %swap3A_195 = vector.load %arg3[%swap3A_193, %swap3A_194] : memref<2048x128xi32, #tpu.memory_space<vmem>>, vector<2048x128xi32>
    tpu.vector_store %arg3[%swap3A_193, %swap3A_194], %select_n3A_192 {strides = array<i32>} : memref<2048x128xi32, #tpu.memory_space<vmem>>, vector<2048x128xi32>,
    %lt3A_196 = arith.constant 1 : i32
    %lt3A_197 = vector.broadcast %lt3A_196 : i32 to vector<2048x128xi32>
    %lt3A_198 = arith.cmpi slt, %iota3A, %lt3A_197 : vector<2048x128xi32>
    %broadcast_in_dim3A_199 = vector.shape_cast %div3A_54 : vector<2048x1xf32> to vector<2048x1xf32>
    %broadcast_in_dim3A_200 = vector.broadcast %broadcast_in_dim3A_199 : vector<2048x1xf32> to vector<2048x128xf32>
    %broadcast_in_dim3A_201 = vector.shape_cast %div3A_55 : vector<2048x1xf32> to vector<2048x1xf32>
    %broadcast_in_dim3A_202 = vector.broadcast %broadcast_in_dim3A_201 : vector<2048x1xf32> to vector<2048x128xf32>
    %select_n3A_203 = arith.select %lt3A_198, %broadcast_in_dim3A_200, %broadcast_in_dim3A_202 : vector<2048x128xi1>, vector<2048x128xf32>
    %swap3A_204 = arith.constant 0 : index
    %swap3A_205 = arith.constant 0 : index
    %swap3A_206 = vector.load %arg4[%swap3A_204, %swap3A_205] : memref<2048x128xf32, #tpu.memory_space<vmem>>, vector<2048x128xf32>
    tpu.vector_store %arg4[%swap3A_204, %swap3A_205], %select_n3A_203 {strides = array<i32>} : memref<2048x128xf32, #tpu.memory_space<vmem>>, vector<2048x128xf32>,
    %iota3A_207 = tpu.iota {dimensions = array<i32: 0>} : vector<64x128xi32>
    %convert_element_type3A_208 = arith.sitofp %iota3A_207 : vector<64x128xi32> to vector<64x128xf32>
    %mul3A_209 = arith.constant 2.560000e+02 : f32
    %mul3A_210 = vector.broadcast %mul3A_209 : f32 to vector<64x128xf32>
    %mul3A_211 = arith.mulf %convert_element_type3A_208, %mul3A_210 : vector<64x128xf32>
    %iota3A_212 = tpu.iota {dimensions = array<i32: 1>} : vector<64x128xi32>
    %broadcast_in_dim3A_213 = vector.shape_cast %slice3A_159 : vector<1x128xf32> to vector<1x128xf32>
    %broadcast_in_dim3A_214 = vector.broadcast %broadcast_in_dim3A_213 : vector<1x128xf32> to vector<64x128xf32>
    %broadcast_in_dim3A_215 = vector.shape_cast %mul3A_149 : vector<1x128xf32> to vector<1x128xf32>
    %broadcast_in_dim3A_216 = vector.broadcast %broadcast_in_dim3A_215 : vector<1x128xf32> to vector<64x128xf32>
    %ge3A = arith.cmpf oge, %mul3A_211, %broadcast_in_dim3A_214 : vector<64x128xf32>
    %add3A_217 = arith.addf %broadcast_in_dim3A_214, %broadcast_in_dim3A_216 : vector<64x128xf32>
    %lt3A_218 = arith.cmpf olt, %mul3A_211, %add3A_217 : vector<64x128xf32>
    %and3A_219 = arith.andi %ge3A, %lt3A_218 : vector<64x128xi1>
    %lt3A_220 = arith.constant 8 : i32
    %lt3A_221 = vector.broadcast %lt3A_220 : i32 to vector<64x128xi32>
    %lt3A_222 = arith.cmpi slt, %iota3A_212, %lt3A_221 : vector<64x128xi32>
    %and3A_223 = arith.andi %and3A_219, %lt3A_222 : vector<64x128xi1>
    %convert_element_type3A_224 = arith.sitofp %iota3A_212 : vector<64x128xi32> to vector<64x128xf32>
    %convert_element_type3A_225 = arith.extui %and3A_223 : vector<64x128xi1> to vector<64x128xi32>
    %convert_element_type3A_226 = arith.sitofp %convert_element_type3A_225 : vector<64x128xi32> to vector<64x128xf32>
    %mul3A_227 = arith.mulf %convert_element_type3A_224, %convert_element_type3A_226 : vector<64x128xf32>
    %reduce_sum3A_228 = arith.constant dense<0.000000e+00> : vector<64xf32>
    %reduce_sum3A_229 = vector.multi_reduction <add>, %mul3A_227, %reduce_sum3A_228 [1] : vector<64x128xf32> to vector<64xf32>
    %broadcast_in_dim3A_230 = vector.shape_cast %reduce_sum3A_229 : vector<64xf32> to vector<64x1xf32>
    %broadcast_in_dim3A_231 = vector.shape_cast %add3A_143 : vector<1x128xf32> to vector<1x128xf32>
    %broadcast_in_dim3A_232 = vector.broadcast %broadcast_in_dim3A_231 : vector<1x128xf32> to vector<64x128xf32>
    %gt3A = arith.constant 0.000000e+00 : f32
    %gt3A_233 = vector.broadcast %gt3A : f32 to vector<64x128xf32>
    %gt3A_234 = arith.cmpf ogt, %broadcast_in_dim3A_232, %gt3A_233 : vector<64x128xf32>
    %lt3A_235 = arith.constant 8 : i32
    %lt3A_236 = vector.broadcast %lt3A_235 : i32 to vector<64x128xi32>
    %lt3A_237 = arith.cmpi slt, %iota3A_212, %lt3A_236 : vector<64x128xi32>
    %and3A_238 = arith.andi %gt3A_234, %lt3A_237 : vector<64x128xi1>
    %convert_element_type3A_239 = arith.sitofp %iota3A_212 : vector<64x128xi32> to vector<64x128xf32>
    %jit3A_240 = arith.constant 0.000000e+00 : f32
    %broadcast_in_dim3A_241 = vector.broadcast %jit3A_240 : f32 to vector<64x128xf32>
    %select_n3A_242 = arith.select %and3A_238, %convert_element_type3A_239, %broadcast_in_dim3A_241 : vector<64x128xi1>, vector<64x128xf32>
    %reduce_max3A_243 = arith.constant dense<0xFF800000> : vector<64xf32>
    %reduce_max3A_244 = vector.multi_reduction <maximumf>, %select_n3A_242, %reduce_max3A_243 [1] : vector<64x128xf32> to vector<64xf32>
    %broadcast_in_dim3A_245 = vector.shape_cast %reduce_max3A_244 : vector<64xf32> to vector<64x1xf32>
    %convert_element_type3A_246 = arith.extui %and3A_223 : vector<64x128xi1> to vector<64x128xi32>
    %convert_element_type3A_247 = arith.sitofp %convert_element_type3A_246 : vector<64x128xi32> to vector<64x128xf32>
    %reduce_max3A_248 = arith.constant dense<0xFF800000> : vector<64xf32>
    %reduce_max3A_249 = vector.multi_reduction <maximumf>, %convert_element_type3A_247, %reduce_max3A_248 [1] : vector<64x128xf32> to vector<64xf32>
    %broadcast_in_dim3A_250 = vector.shape_cast %reduce_max3A_249 : vector<64xf32> to vector<64x1xf32>
    %gt3A_251 = arith.constant 0.000000e+00 : f32
    %gt3A_252 = vector.broadcast %gt3A_251 : f32 to vector<64x1xf32>
    %gt3A_253 = arith.cmpf ogt, %broadcast_in_dim3A_250, %gt3A_252 : vector<64x1xf32>
    %select_n3A_254 = arith.select %gt3A_253, %broadcast_in_dim3A_230, %broadcast_in_dim3A_245 : vector<64x1xi1>, vector<64x1xf32>
    %convert_element_type3A_255 = arith.fptosi %select_n3A_254 : vector<64x1xf32> to vector<64x1xi32>
    %broadcast_in_dim3A_256 = vector.shape_cast %convert_element_type3A_255 : vector<64x1xi32> to vector<64x1xi32>
    %broadcast_in_dim3A_257 = vector.broadcast %broadcast_in_dim3A_256 : vector<64x1xi32> to vector<64x128xi32>
    %swap3A_258 = arith.constant 0 : index
    %swap3A_259 = arith.constant 0 : index
    %swap3A_260 = vector.load %arg5[%swap3A_258, %swap3A_259] : memref<64x128xi32, #tpu.memory_space<vmem>>, vector<64x128xi32>
    tpu.vector_store %arg5[%swap3A_258, %swap3A_259], %broadcast_in_dim3A_257 {strides = array<i32>} : memref<64x128xi32, #tpu.memory_space<vmem>>, vector<64x128xi32>,
    return
  }
}

module attributes {stable_mosaic.version = 14 : i64} {
  func.func @_ffn_body(%arg0: i32, %arg1: memref<24xi32, #tpu.memory_space<smem>>, %arg2: memref<24xi32, #tpu.memory_space<smem>>, %arg3: memref<24xi32, #tpu.memory_space<smem>>, %arg4: memref<24xi32, #tpu.memory_space<smem>>, %arg5: memref<24xi32, #tpu.memory_space<smem>>, %arg6: memref<256x512xi32, #tpu.memory_space<vmem>>, %arg7: memref<8x1024x1024xf32, #tpu.memory_space<hbm>>, %arg8: memref<8x1024x1024xf32, #tpu.memory_space<hbm>>, %arg9: memref<8x1024x1024xf32, #tpu.memory_space<hbm>>, %arg10: memref<256x512xi32, #tpu.memory_space<vmem>>, %arg11: memref<2x1024x1024xf32, #tpu.memory_space<vmem>>, %arg12: memref<2x1024x1024xf32, #tpu.memory_space<vmem>>, %arg13: memref<2x1024x1024xf32, #tpu.memory_space<vmem>>, %arg14: memref<2x!tpu.dma_semaphore, #tpu.memory_space<semaphore_mem>>, %arg15: memref<2x!tpu.dma_semaphore, #tpu.memory_space<semaphore_mem>>, %arg16: memref<2x!tpu.dma_semaphore, #tpu.memory_space<semaphore_mem>>) attributes {dimension_semantics = [#tpu.dimension_semantics<arbitrary>], iteration_bounds = array<i64: 24>, scalar_prefetch = 5 : i64, scratch_operands = 6 : i64, tpu.core_type = #tpu.core_type<tc>, window_params = [{transform_indices = @transform_0, window_bounds = array<i64: 256, 512>}, {}, {}, {}, {transform_indices = @transform_4, window_bounds = array<i64: 256, 512>}]} {
    %get3A = arith.index_cast %arg0 : i32 to index
    %get3A_0 = memref.load %arg1[%get3A] : memref<24xi32, #tpu.memory_space<smem>>
    %get3A_1 = arith.index_cast %arg0 : i32 to index
    %get3A_2 = memref.load %arg5[%get3A_1] : memref<24xi32, #tpu.memory_space<smem>>
    %eq3A = arith.constant 0 : i32
    %eq3A_3 = arith.cmpi eq, %arg0, %eq3A : i32
    %convert_element_type3A = arith.extui %eq3A_3 : i1 to i32
    %cond3A = arith.constant 0 : i32
    %cond3A_4 = arith.cmpi ne, %convert_element_type3A, %cond3A : i32
    scf.if %cond3A_4 {
      %dma_start3A = arith.constant 0 : i32
      %dma_start3A_73 = arith.constant 0 : i32
      %dma_start3A_74 = tpu.memref_slice %arg14[%dma_start3A_73] : memref<2x!tpu.dma_semaphore, #tpu.memory_space<semaphore_mem>> -> memref<1x!tpu.dma_semaphore, #tpu.memory_space<semaphore_mem>>
      %dma_start3A_75 = tpu.memref_squeeze %dma_start3A_74 : memref<1x!tpu.dma_semaphore, #tpu.memory_space<semaphore_mem>> -> memref<!tpu.dma_semaphore, #tpu.memory_space<semaphore_mem>>
      %dma_start3A_76 = arith.constant 0 : i32
      %dma_start3A_77 = arith.constant 0 : i32
      %dma_start3A_78 = tpu.memref_slice %arg11[%dma_start3A, %dma_start3A_76, %dma_start3A_77] : memref<2x1024x1024xf32, #tpu.memory_space<vmem>> -> memref<1x1024x1024xf32, #tpu.memory_space<vmem>>
      %dma_start3A_79 = tpu.memref_squeeze %dma_start3A_78 : memref<1x1024x1024xf32, #tpu.memory_space<vmem>> -> memref<1024x1024xf32, #tpu.memory_space<vmem>>
      %dma_start3A_80 = arith.constant 0 : i32
      %dma_start3A_81 = arith.constant 0 : i32
      %dma_start3A_82 = tpu.memref_slice %arg7[%get3A_0, %dma_start3A_80, %dma_start3A_81] : memref<8x1024x1024xf32, #tpu.memory_space<hbm>> -> memref<1x1024x1024xf32, #tpu.memory_space<hbm>>
      %dma_start3A_83 = tpu.memref_squeeze %dma_start3A_82 : memref<1x1024x1024xf32, #tpu.memory_space<hbm>> -> memref<1024x1024xf32, #tpu.memory_space<hbm>>
      tpu.enqueue_dma source(%dma_start3A_83 : memref<1024x1024xf32, #tpu.memory_space<hbm>>) target(%dma_start3A_79 : memref<1024x1024xf32, #tpu.memory_space<vmem>>) target_semaphore(%dma_start3A_75 : memref<!tpu.dma_semaphore, #tpu.memory_space<semaphore_mem>>)
      %dma_start3A_84 = arith.constant 0 : i32
      %dma_start3A_85 = arith.constant 0 : i32
      %dma_start3A_86 = tpu.memref_slice %arg15[%dma_start3A_85] : memref<2x!tpu.dma_semaphore, #tpu.memory_space<semaphore_mem>> -> memref<1x!tpu.dma_semaphore, #tpu.memory_space<semaphore_mem>>
      %dma_start3A_87 = tpu.memref_squeeze %dma_start3A_86 : memref<1x!tpu.dma_semaphore, #tpu.memory_space<semaphore_mem>> -> memref<!tpu.dma_semaphore, #tpu.memory_space<semaphore_mem>>
      %dma_start3A_88 = arith.constant 0 : i32
      %dma_start3A_89 = arith.constant 0 : i32
      %dma_start3A_90 = tpu.memref_slice %arg12[%dma_start3A_84, %dma_start3A_88, %dma_start3A_89] : memref<2x1024x1024xf32, #tpu.memory_space<vmem>> -> memref<1x1024x1024xf32, #tpu.memory_space<vmem>>
      %dma_start3A_91 = tpu.memref_squeeze %dma_start3A_90 : memref<1x1024x1024xf32, #tpu.memory_space<vmem>> -> memref<1024x1024xf32, #tpu.memory_space<vmem>>
      %dma_start3A_92 = arith.constant 0 : i32
      %dma_start3A_93 = arith.constant 0 : i32
      %dma_start3A_94 = tpu.memref_slice %arg8[%get3A_0, %dma_start3A_92, %dma_start3A_93] : memref<8x1024x1024xf32, #tpu.memory_space<hbm>> -> memref<1x1024x1024xf32, #tpu.memory_space<hbm>>
      %dma_start3A_95 = tpu.memref_squeeze %dma_start3A_94 : memref<1x1024x1024xf32, #tpu.memory_space<hbm>> -> memref<1024x1024xf32, #tpu.memory_space<hbm>>
      tpu.enqueue_dma source(%dma_start3A_95 : memref<1024x1024xf32, #tpu.memory_space<hbm>>) target(%dma_start3A_91 : memref<1024x1024xf32, #tpu.memory_space<vmem>>) target_semaphore(%dma_start3A_87 : memref<!tpu.dma_semaphore, #tpu.memory_space<semaphore_mem>>)
      %dma_start3A_96 = arith.constant 0 : i32
      %dma_start3A_97 = arith.constant 0 : i32
      %dma_start3A_98 = tpu.memref_slice %arg16[%dma_start3A_97] : memref<2x!tpu.dma_semaphore, #tpu.memory_space<semaphore_mem>> -> memref<1x!tpu.dma_semaphore, #tpu.memory_space<semaphore_mem>>
      %dma_start3A_99 = tpu.memref_squeeze %dma_start3A_98 : memref<1x!tpu.dma_semaphore, #tpu.memory_space<semaphore_mem>> -> memref<!tpu.dma_semaphore, #tpu.memory_space<semaphore_mem>>
      %dma_start3A_100 = arith.constant 0 : i32
      %dma_start3A_101 = arith.constant 0 : i32
      %dma_start3A_102 = tpu.memref_slice %arg13[%dma_start3A_96, %dma_start3A_100, %dma_start3A_101] : memref<2x1024x1024xf32, #tpu.memory_space<vmem>> -> memref<1x1024x1024xf32, #tpu.memory_space<vmem>>
      %dma_start3A_103 = tpu.memref_squeeze %dma_start3A_102 : memref<1x1024x1024xf32, #tpu.memory_space<vmem>> -> memref<1024x1024xf32, #tpu.memory_space<vmem>>
      %dma_start3A_104 = arith.constant 0 : i32
      %dma_start3A_105 = arith.constant 0 : i32
      %dma_start3A_106 = tpu.memref_slice %arg9[%get3A_0, %dma_start3A_104, %dma_start3A_105] : memref<8x1024x1024xf32, #tpu.memory_space<hbm>> -> memref<1x1024x1024xf32, #tpu.memory_space<hbm>>
      %dma_start3A_107 = tpu.memref_squeeze %dma_start3A_106 : memref<1x1024x1024xf32, #tpu.memory_space<hbm>> -> memref<1024x1024xf32, #tpu.memory_space<hbm>>
      tpu.enqueue_dma source(%dma_start3A_107 : memref<1024x1024xf32, #tpu.memory_space<hbm>>) target(%dma_start3A_103 : memref<1024x1024xf32, #tpu.memory_space<vmem>>) target_semaphore(%dma_start3A_99 : memref<!tpu.dma_semaphore, #tpu.memory_space<semaphore_mem>>)
    } else {
    }
    %get3A_5 = arith.index_cast %arg0 : i32 to index
    %get3A_6 = memref.load %arg2[%get3A_5] : memref<24xi32, #tpu.memory_space<smem>>
    %eq3A_7 = arith.constant 1 : i32
    %eq3A_8 = arith.cmpi eq, %get3A_6, %eq3A_7 : i32
    %get3A_9 = arith.index_cast %arg0 : i32 to index
    %get3A_10 = memref.load %arg4[%get3A_9] : memref<24xi32, #tpu.memory_space<smem>>
    %eq3A_11 = arith.constant 1 : i32
    %eq3A_12 = arith.cmpi eq, %get3A_10, %eq3A_11 : i32
    %and3A = arith.andi %eq3A_8, %eq3A_12 : i1
    %convert_element_type3A_13 = arith.extui %and3A : i1 to i32
    %cond3A_14 = arith.constant 0 : i32
    %cond3A_15 = arith.cmpi ne, %convert_element_type3A_13, %cond3A_14 : i32
    scf.if %cond3A_15 {
      %get3A_73 = arith.index_cast %arg0 : i32 to index
      %get3A_74 = memref.load %arg3[%get3A_73] : memref<24xi32, #tpu.memory_space<smem>>
      %sub3A = arith.constant 1 : i32
      %sub3A_75 = arith.subi %sub3A, %get3A_2 : i32
      %dma_start3A = tpu.memref_slice %arg14[%sub3A_75] : memref<2x!tpu.dma_semaphore, #tpu.memory_space<semaphore_mem>> -> memref<1x!tpu.dma_semaphore, #tpu.memory_space<semaphore_mem>>
      %dma_start3A_76 = tpu.memref_squeeze %dma_start3A : memref<1x!tpu.dma_semaphore, #tpu.memory_space<semaphore_mem>> -> memref<!tpu.dma_semaphore, #tpu.memory_space<semaphore_mem>>
      %dma_start3A_77 = arith.constant 0 : i32
      %dma_start3A_78 = arith.constant 0 : i32
      %dma_start3A_79 = tpu.memref_slice %arg11[%sub3A_75, %dma_start3A_77, %dma_start3A_78] : memref<2x1024x1024xf32, #tpu.memory_space<vmem>> -> memref<1x1024x1024xf32, #tpu.memory_space<vmem>>
      %dma_start3A_80 = tpu.memref_squeeze %dma_start3A_79 : memref<1x1024x1024xf32, #tpu.memory_space<vmem>> -> memref<1024x1024xf32, #tpu.memory_space<vmem>>
      %dma_start3A_81 = arith.constant 0 : i32
      %dma_start3A_82 = arith.constant 0 : i32
      %dma_start3A_83 = tpu.memref_slice %arg7[%get3A_74, %dma_start3A_81, %dma_start3A_82] : memref<8x1024x1024xf32, #tpu.memory_space<hbm>> -> memref<1x1024x1024xf32, #tpu.memory_space<hbm>>
      %dma_start3A_84 = tpu.memref_squeeze %dma_start3A_83 : memref<1x1024x1024xf32, #tpu.memory_space<hbm>> -> memref<1024x1024xf32, #tpu.memory_space<hbm>>
      tpu.enqueue_dma source(%dma_start3A_84 : memref<1024x1024xf32, #tpu.memory_space<hbm>>) target(%dma_start3A_80 : memref<1024x1024xf32, #tpu.memory_space<vmem>>) target_semaphore(%dma_start3A_76 : memref<!tpu.dma_semaphore, #tpu.memory_space<semaphore_mem>>)
      %dma_start3A_85 = tpu.memref_slice %arg15[%sub3A_75] : memref<2x!tpu.dma_semaphore, #tpu.memory_space<semaphore_mem>> -> memref<1x!tpu.dma_semaphore, #tpu.memory_space<semaphore_mem>>
      %dma_start3A_86 = tpu.memref_squeeze %dma_start3A_85 : memref<1x!tpu.dma_semaphore, #tpu.memory_space<semaphore_mem>> -> memref<!tpu.dma_semaphore, #tpu.memory_space<semaphore_mem>>
      %dma_start3A_87 = arith.constant 0 : i32
      %dma_start3A_88 = arith.constant 0 : i32
      %dma_start3A_89 = tpu.memref_slice %arg12[%sub3A_75, %dma_start3A_87, %dma_start3A_88] : memref<2x1024x1024xf32, #tpu.memory_space<vmem>> -> memref<1x1024x1024xf32, #tpu.memory_space<vmem>>
      %dma_start3A_90 = tpu.memref_squeeze %dma_start3A_89 : memref<1x1024x1024xf32, #tpu.memory_space<vmem>> -> memref<1024x1024xf32, #tpu.memory_space<vmem>>
      %dma_start3A_91 = arith.constant 0 : i32
      %dma_start3A_92 = arith.constant 0 : i32
      %dma_start3A_93 = tpu.memref_slice %arg8[%get3A_74, %dma_start3A_91, %dma_start3A_92] : memref<8x1024x1024xf32, #tpu.memory_space<hbm>> -> memref<1x1024x1024xf32, #tpu.memory_space<hbm>>
      %dma_start3A_94 = tpu.memref_squeeze %dma_start3A_93 : memref<1x1024x1024xf32, #tpu.memory_space<hbm>> -> memref<1024x1024xf32, #tpu.memory_space<hbm>>
      tpu.enqueue_dma source(%dma_start3A_94 : memref<1024x1024xf32, #tpu.memory_space<hbm>>) target(%dma_start3A_90 : memref<1024x1024xf32, #tpu.memory_space<vmem>>) target_semaphore(%dma_start3A_86 : memref<!tpu.dma_semaphore, #tpu.memory_space<semaphore_mem>>)
      %dma_start3A_95 = tpu.memref_slice %arg16[%sub3A_75] : memref<2x!tpu.dma_semaphore, #tpu.memory_space<semaphore_mem>> -> memref<1x!tpu.dma_semaphore, #tpu.memory_space<semaphore_mem>>
      %dma_start3A_96 = tpu.memref_squeeze %dma_start3A_95 : memref<1x!tpu.dma_semaphore, #tpu.memory_space<semaphore_mem>> -> memref<!tpu.dma_semaphore, #tpu.memory_space<semaphore_mem>>
      %dma_start3A_97 = arith.constant 0 : i32
      %dma_start3A_98 = arith.constant 0 : i32
      %dma_start3A_99 = tpu.memref_slice %arg13[%sub3A_75, %dma_start3A_97, %dma_start3A_98] : memref<2x1024x1024xf32, #tpu.memory_space<vmem>> -> memref<1x1024x1024xf32, #tpu.memory_space<vmem>>
      %dma_start3A_100 = tpu.memref_squeeze %dma_start3A_99 : memref<1x1024x1024xf32, #tpu.memory_space<vmem>> -> memref<1024x1024xf32, #tpu.memory_space<vmem>>
      %dma_start3A_101 = arith.constant 0 : i32
      %dma_start3A_102 = arith.constant 0 : i32
      %dma_start3A_103 = tpu.memref_slice %arg9[%get3A_74, %dma_start3A_101, %dma_start3A_102] : memref<8x1024x1024xf32, #tpu.memory_space<hbm>> -> memref<1x1024x1024xf32, #tpu.memory_space<hbm>>
      %dma_start3A_104 = tpu.memref_squeeze %dma_start3A_103 : memref<1x1024x1024xf32, #tpu.memory_space<hbm>> -> memref<1024x1024xf32, #tpu.memory_space<hbm>>
      tpu.enqueue_dma source(%dma_start3A_104 : memref<1024x1024xf32, #tpu.memory_space<hbm>>) target(%dma_start3A_100 : memref<1024x1024xf32, #tpu.memory_space<vmem>>) target_semaphore(%dma_start3A_96 : memref<!tpu.dma_semaphore, #tpu.memory_space<semaphore_mem>>)
    } else {
    }
    %get3A_16 = arith.index_cast %arg0 : i32 to index
    %get3A_17 = memref.load %arg2[%get3A_16] : memref<24xi32, #tpu.memory_space<smem>>
    %eq3A_18 = arith.constant 1 : i32
    %eq3A_19 = arith.cmpi eq, %get3A_17, %eq3A_18 : i32
    %convert_element_type3A_20 = arith.extui %eq3A_19 : i1 to i32
    %cond3A_21 = arith.constant 0 : i32
    %cond3A_22 = arith.cmpi ne, %convert_element_type3A_20, %cond3A_21 : i32
    scf.if %cond3A_22 {
      %dma_wait3A = tpu.memref_slice %arg14[%get3A_2] : memref<2x!tpu.dma_semaphore, #tpu.memory_space<semaphore_mem>> -> memref<1x!tpu.dma_semaphore, #tpu.memory_space<semaphore_mem>>
      %dma_wait3A_73 = tpu.memref_squeeze %dma_wait3A : memref<1x!tpu.dma_semaphore, #tpu.memory_space<semaphore_mem>> -> memref<!tpu.dma_semaphore, #tpu.memory_space<semaphore_mem>>
      %dma_wait3A_74 = arith.constant 0 : i32
      %dma_wait3A_75 = arith.constant 0 : i32
      %dma_wait3A_76 = tpu.memref_slice %arg11[%get3A_2, %dma_wait3A_74, %dma_wait3A_75] : memref<2x1024x1024xf32, #tpu.memory_space<vmem>> -> memref<1x1024x1024xf32, #tpu.memory_space<vmem>>
      %dma_wait3A_77 = tpu.memref_squeeze %dma_wait3A_76 : memref<1x1024x1024xf32, #tpu.memory_space<vmem>> -> memref<1024x1024xf32, #tpu.memory_space<vmem>>
      %dma_wait3A_78 = arith.constant 0 : i32
      %dma_wait3A_79 = arith.constant 0 : i32
      %dma_wait3A_80 = tpu.memref_slice %arg7[%get3A_0, %dma_wait3A_78, %dma_wait3A_79] : memref<8x1024x1024xf32, #tpu.memory_space<hbm>> -> memref<1x1024x1024xf32, #tpu.memory_space<hbm>>
      %dma_wait3A_81 = tpu.memref_squeeze %dma_wait3A_80 : memref<1x1024x1024xf32, #tpu.memory_space<hbm>> -> memref<1024x1024xf32, #tpu.memory_space<hbm>>
      tpu.wait_dma2 semaphore(%dma_wait3A_73 : memref<!tpu.dma_semaphore, #tpu.memory_space<semaphore_mem>>) src(%dma_wait3A_81 : memref<1024x1024xf32, #tpu.memory_space<hbm>>) dst(%dma_wait3A_77 : memref<1024x1024xf32, #tpu.memory_space<vmem>>)
      %dma_wait3A_82 = tpu.memref_slice %arg15[%get3A_2] : memref<2x!tpu.dma_semaphore, #tpu.memory_space<semaphore_mem>> -> memref<1x!tpu.dma_semaphore, #tpu.memory_space<semaphore_mem>>
      %dma_wait3A_83 = tpu.memref_squeeze %dma_wait3A_82 : memref<1x!tpu.dma_semaphore, #tpu.memory_space<semaphore_mem>> -> memref<!tpu.dma_semaphore, #tpu.memory_space<semaphore_mem>>
      %dma_wait3A_84 = arith.constant 0 : i32
      %dma_wait3A_85 = arith.constant 0 : i32
      %dma_wait3A_86 = tpu.memref_slice %arg12[%get3A_2, %dma_wait3A_84, %dma_wait3A_85] : memref<2x1024x1024xf32, #tpu.memory_space<vmem>> -> memref<1x1024x1024xf32, #tpu.memory_space<vmem>>
      %dma_wait3A_87 = tpu.memref_squeeze %dma_wait3A_86 : memref<1x1024x1024xf32, #tpu.memory_space<vmem>> -> memref<1024x1024xf32, #tpu.memory_space<vmem>>
      %dma_wait3A_88 = arith.constant 0 : i32
      %dma_wait3A_89 = arith.constant 0 : i32
      %dma_wait3A_90 = tpu.memref_slice %arg8[%get3A_0, %dma_wait3A_88, %dma_wait3A_89] : memref<8x1024x1024xf32, #tpu.memory_space<hbm>> -> memref<1x1024x1024xf32, #tpu.memory_space<hbm>>
      %dma_wait3A_91 = tpu.memref_squeeze %dma_wait3A_90 : memref<1x1024x1024xf32, #tpu.memory_space<hbm>> -> memref<1024x1024xf32, #tpu.memory_space<hbm>>
      tpu.wait_dma2 semaphore(%dma_wait3A_83 : memref<!tpu.dma_semaphore, #tpu.memory_space<semaphore_mem>>) src(%dma_wait3A_91 : memref<1024x1024xf32, #tpu.memory_space<hbm>>) dst(%dma_wait3A_87 : memref<1024x1024xf32, #tpu.memory_space<vmem>>)
      %dma_wait3A_92 = tpu.memref_slice %arg16[%get3A_2] : memref<2x!tpu.dma_semaphore, #tpu.memory_space<semaphore_mem>> -> memref<1x!tpu.dma_semaphore, #tpu.memory_space<semaphore_mem>>
      %dma_wait3A_93 = tpu.memref_squeeze %dma_wait3A_92 : memref<1x!tpu.dma_semaphore, #tpu.memory_space<semaphore_mem>> -> memref<!tpu.dma_semaphore, #tpu.memory_space<semaphore_mem>>
      %dma_wait3A_94 = arith.constant 0 : i32
      %dma_wait3A_95 = arith.constant 0 : i32
      %dma_wait3A_96 = tpu.memref_slice %arg13[%get3A_2, %dma_wait3A_94, %dma_wait3A_95] : memref<2x1024x1024xf32, #tpu.memory_space<vmem>> -> memref<1x1024x1024xf32, #tpu.memory_space<vmem>>
      %dma_wait3A_97 = tpu.memref_squeeze %dma_wait3A_96 : memref<1x1024x1024xf32, #tpu.memory_space<vmem>> -> memref<1024x1024xf32, #tpu.memory_space<vmem>>
      %dma_wait3A_98 = arith.constant 0 : i32
      %dma_wait3A_99 = arith.constant 0 : i32
      %dma_wait3A_100 = tpu.memref_slice %arg9[%get3A_0, %dma_wait3A_98, %dma_wait3A_99] : memref<8x1024x1024xf32, #tpu.memory_space<hbm>> -> memref<1x1024x1024xf32, #tpu.memory_space<hbm>>
      %dma_wait3A_101 = tpu.memref_squeeze %dma_wait3A_100 : memref<1x1024x1024xf32, #tpu.memory_space<hbm>> -> memref<1024x1024xf32, #tpu.memory_space<hbm>>
      tpu.wait_dma2 semaphore(%dma_wait3A_93 : memref<!tpu.dma_semaphore, #tpu.memory_space<semaphore_mem>>) src(%dma_wait3A_101 : memref<1024x1024xf32, #tpu.memory_space<hbm>>) dst(%dma_wait3A_97 : memref<1024x1024xf32, #tpu.memory_space<vmem>>)
    } else {
    }
    %get3A_23 = arith.constant 0 : index
    %get3A_24 = arith.constant 0 : index
    %get3A_25 = vector.load %arg6[%get3A_23, %get3A_24] : memref<256x512xi32, #tpu.memory_space<vmem>>, vector<256x512xi32>
    %bitcast_convert_type3A = tpu.bitcast %get3A_25 : vector<256x512xi32> -> vector<256x512xi32>
    %and3A_26 = arith.constant 65535 : i32
    %and3A_27 = vector.broadcast %and3A_26 : i32 to vector<256x512xi32>
    %and3A_28 = arith.andi %bitcast_convert_type3A, %and3A_27 : vector<256x512xi32>
    %convert_element_type3A_29 = arith.trunci %and3A_28 : vector<256x512xi32> to vector<256x512xi16>
    %bitcast_convert_type3A_30 = tpu.bitcast %convert_element_type3A_29 : vector<256x512xi16> -> vector<256x512xbf16>
    %shift_right_logical3A = arith.constant 16 : i32
    %shift_right_logical3A_31 = vector.broadcast %shift_right_logical3A : i32 to vector<256x512xi32>
    %shift_right_logical3A_32 = arith.shrui %bitcast_convert_type3A, %shift_right_logical3A_31 : vector<256x512xi32>
    %convert_element_type3A_33 = arith.trunci %shift_right_logical3A_32 : vector<256x512xi32> to vector<256x512xi16>
    %bitcast_convert_type3A_34 = tpu.bitcast %convert_element_type3A_33 : vector<256x512xi16> -> vector<256x512xbf16>
    %concatenate3A = tpu.concatenate %bitcast_convert_type3A_30, %bitcast_convert_type3A_34 in 1 : vector<256x512xbf16>, vector<256x512xbf16> -> vector<256x1024xbf16>
    %convert_element_type3A_35 = arith.extf %concatenate3A : vector<256x1024xbf16> to vector<256x1024xf32>
    %get3A_36 = arith.index_cast %get3A_2 : i32 to index
    %get3A_37 = arith.constant 0 : index
    %get3A_38 = arith.constant 0 : index
    %get3A_39 = vector.load %arg11[%get3A_36, %get3A_37, %get3A_38] : memref<2x1024x1024xf32, #tpu.memory_space<vmem>>, vector<1x1024x1024xf32>
    %get3A_40 = vector.shape_cast %get3A_39 : vector<1x1024x1024xf32> to vector<1024x1024xf32>
    %dot_general3A = arith.constant dense<0.000000e+00> : vector<256x1024xf32>
    %dot_general3A_41 = tpu.matmul %convert_element_type3A_35, %get3A_40, %dot_general3A {dimension_numbers = #tpu.dot_dimension_numbers<[1], [0], [0], [1], [0, 0, 1, 1], [], []>, transpose_lhs_hint = false} : vector<256x1024xf32>, vector<1024x1024xf32>, vector<256x1024xf32> -> vector<256x1024xf32>
    %get3A_42 = arith.index_cast %get3A_2 : i32 to index
    %get3A_43 = arith.constant 0 : index
    %get3A_44 = arith.constant 0 : index
    %get3A_45 = vector.load %arg12[%get3A_42, %get3A_43, %get3A_44] : memref<2x1024x1024xf32, #tpu.memory_space<vmem>>, vector<1x1024x1024xf32>
    %get3A_46 = vector.shape_cast %get3A_45 : vector<1x1024x1024xf32> to vector<1024x1024xf32>
    %dot_general3A_47 = arith.constant dense<0.000000e+00> : vector<256x1024xf32>
    %dot_general3A_48 = tpu.matmul %convert_element_type3A_35, %get3A_46, %dot_general3A_47 {dimension_numbers = #tpu.dot_dimension_numbers<[1], [0], [0], [1], [0, 0, 1, 1], [], []>, transpose_lhs_hint = false} : vector<256x1024xf32>, vector<1024x1024xf32>, vector<256x1024xf32> -> vector<256x1024xf32>
    %logistic3A = arith.negf %dot_general3A_41 : vector<256x1024xf32>
    %logistic3A_49 = math.exp %logistic3A : vector<256x1024xf32>
    %logistic3A_50 = arith.constant 1.000000e+00 : f32
    %logistic3A_51 = vector.broadcast %logistic3A_50 : f32 to vector<256x1024xf32>
    %logistic3A_52 = arith.addf %logistic3A_51, %logistic3A_49 : vector<256x1024xf32>
    %logistic3A_53 = arith.divf %logistic3A_51, %logistic3A_52 : vector<256x1024xf32>
    %mul3A = arith.mulf %dot_general3A_41, %logistic3A_53 : vector<256x1024xf32>
    %mul3A_54 = arith.mulf %mul3A, %dot_general3A_48 : vector<256x1024xf32>
    %get3A_55 = arith.index_cast %get3A_2 : i32 to index
    %get3A_56 = arith.constant 0 : index
    %get3A_57 = arith.constant 0 : index
    %get3A_58 = vector.load %arg13[%get3A_55, %get3A_56, %get3A_57] : memref<2x1024x1024xf32, #tpu.memory_space<vmem>>, vector<1x1024x1024xf32>
    %get3A_59 = vector.shape_cast %get3A_58 : vector<1x1024x1024xf32> to vector<1024x1024xf32>
    %dot_general3A_60 = arith.constant dense<0.000000e+00> : vector<256x1024xf32>
    %dot_general3A_61 = tpu.matmul %mul3A_54, %get3A_59, %dot_general3A_60 {dimension_numbers = #tpu.dot_dimension_numbers<[1], [0], [0], [1], [0, 0, 1, 1], [], []>, transpose_lhs_hint = false} : vector<256x1024xf32>, vector<1024x1024xf32>, vector<256x1024xf32> -> vector<256x1024xf32>
    %convert_element_type3A_62 = arith.truncf %dot_general3A_61 : vector<256x1024xf32> to vector<256x1024xbf16>
    %slice3A = vector.extract_strided_slice %convert_element_type3A_62 {offsets = [0, 0], sizes = [256, 512], strides = [1, 1]} : vector<256x1024xbf16> to vector<256x512xbf16>
    %bitcast_convert_type3A_63 = tpu.bitcast %slice3A : vector<256x512xbf16> -> vector<256x512xi16>
    %convert_element_type3A_64 = arith.extui %bitcast_convert_type3A_63 : vector<256x512xi16> to vector<256x512xi32>
    %slice3A_65 = vector.extract_strided_slice %convert_element_type3A_62 {offsets = [0, 512], sizes = [256, 512], strides = [1, 1]} : vector<256x1024xbf16> to vector<256x512xbf16>
    %bitcast_convert_type3A_66 = tpu.bitcast %slice3A_65 : vector<256x512xbf16> -> vector<256x512xi16>
    %convert_element_type3A_67 = arith.extui %bitcast_convert_type3A_66 : vector<256x512xi16> to vector<256x512xi32>
    %shift_left3A = arith.constant 16 : i32
    %shift_left3A_68 = vector.broadcast %shift_left3A : i32 to vector<256x512xi32>
    %shift_left3A_69 = arith.shli %convert_element_type3A_67, %shift_left3A_68 : vector<256x512xi32>
    %or3A = arith.ori %convert_element_type3A_64, %shift_left3A_69 : vector<256x512xi32>
    %bitcast_convert_type3A_70 = tpu.bitcast %or3A : vector<256x512xi32> -> vector<256x512xi32>
    %swap3A = arith.constant 0 : index
    %swap3A_71 = arith.constant 0 : index
    %swap3A_72 = vector.load %arg10[%swap3A, %swap3A_71] : memref<256x512xi32, #tpu.memory_space<vmem>>, vector<256x512xi32>
    tpu.vector_store %arg10[%swap3A, %swap3A_71], %bitcast_convert_type3A_70 {strides = array<i32>} : memref<256x512xi32, #tpu.memory_space<vmem>>, vector<256x512xi32>,
    return
  }
  func.func @transform_0(%arg0: i32, %arg1: memref<24xi32, #tpu.memory_space<smem>>, %arg2: memref<24xi32, #tpu.memory_space<smem>>, %arg3: memref<24xi32, #tpu.memory_space<smem>>, %arg4: memref<24xi32, #tpu.memory_space<smem>>, %arg5: memref<24xi32, #tpu.memory_space<smem>>) -> (i32, i32) {
    %c0_i32 = arith.constant 0 : i32
    %c0_i32_0 = arith.constant 0 : i32
    return %arg0, %c0_i32 : i32, i32
  }
  func.func @transform_4(%arg0: i32, %arg1: memref<24xi32, #tpu.memory_space<smem>>, %arg2: memref<24xi32, #tpu.memory_space<smem>>, %arg3: memref<24xi32, #tpu.memory_space<smem>>, %arg4: memref<24xi32, #tpu.memory_space<smem>>, %arg5: memref<24xi32, #tpu.memory_space<smem>>) -> (i32, i32) {
    %c0_i32 = arith.constant 0 : i32
    %c0_i32_0 = arith.constant 0 : i32
    return %arg0, %c0_i32 : i32, i32
  }
}

module attributes {stable_mosaic.version = 14 : i64} {
  func.func @_shared_body(%arg0: i32, %arg1: memref<256x512xi32, #tpu.memory_space<vmem>>, %arg2: memref<256x512xi32, #tpu.memory_space<vmem>>, %arg3: memref<256x512xi32, #tpu.memory_space<vmem>>, %arg4: memref<256x128xf32, #tpu.memory_space<vmem>>, %arg5: memref<1024x2048xf32, #tpu.memory_space<vmem>>, %arg6: memref<1024x2048xf32, #tpu.memory_space<vmem>>, %arg7: memref<2048x1024xf32, #tpu.memory_space<vmem>>, %arg8: memref<1024x128xf32, #tpu.memory_space<vmem>>, %arg9: memref<256x1024xf32, #tpu.memory_space<vmem>>) attributes {dimension_semantics = [#tpu.dimension_semantics<arbitrary>], iteration_bounds = array<i64: 8>, scalar_prefetch = 0 : i64, scratch_operands = 0 : i64, tpu.core_type = #tpu.core_type<tc>, window_params = [{transform_indices = @transform_0, window_bounds = array<i64: 256, 512>}, {transform_indices = @transform_1, window_bounds = array<i64: 256, 512>}, {transform_indices = @transform_2, window_bounds = array<i64: 256, 512>}, {transform_indices = @transform_3, window_bounds = array<i64: 256, 128>}, {pipeline_mode = #tpu.pipeline_mode<synchronous>, transform_indices = @transform_4, window_bounds = array<i64: 1024, 2048>}, {pipeline_mode = #tpu.pipeline_mode<synchronous>, transform_indices = @transform_5, window_bounds = array<i64: 1024, 2048>}, {pipeline_mode = #tpu.pipeline_mode<synchronous>, transform_indices = @transform_6, window_bounds = array<i64: 2048, 1024>}, {pipeline_mode = #tpu.pipeline_mode<synchronous>, transform_indices = @transform_7, window_bounds = array<i64: 1024, 128>}, {transform_indices = @transform_8, window_bounds = array<i64: 256, 1024>}]} {
    %get3A = arith.constant 0 : index
    %get3A_0 = arith.constant 0 : index
    %get3A_1 = vector.load %arg1[%get3A, %get3A_0] : memref<256x512xi32, #tpu.memory_space<vmem>>, vector<256x512xi32>
    %bitcast_convert_type3A = tpu.bitcast %get3A_1 : vector<256x512xi32> -> vector<256x512xi32>
    %and3A = arith.constant 65535 : i32
    %and3A_2 = vector.broadcast %and3A : i32 to vector<256x512xi32>
    %and3A_3 = arith.andi %bitcast_convert_type3A, %and3A_2 : vector<256x512xi32>
    %convert_element_type3A = arith.trunci %and3A_3 : vector<256x512xi32> to vector<256x512xi16>
    %bitcast_convert_type3A_4 = tpu.bitcast %convert_element_type3A : vector<256x512xi16> -> vector<256x512xbf16>
    %shift_right_logical3A = arith.constant 16 : i32
    %shift_right_logical3A_5 = vector.broadcast %shift_right_logical3A : i32 to vector<256x512xi32>
    %shift_right_logical3A_6 = arith.shrui %bitcast_convert_type3A, %shift_right_logical3A_5 : vector<256x512xi32>
    %convert_element_type3A_7 = arith.trunci %shift_right_logical3A_6 : vector<256x512xi32> to vector<256x512xi16>
    %bitcast_convert_type3A_8 = tpu.bitcast %convert_element_type3A_7 : vector<256x512xi16> -> vector<256x512xbf16>
    %concatenate3A = tpu.concatenate %bitcast_convert_type3A_4, %bitcast_convert_type3A_8 in 1 : vector<256x512xbf16>, vector<256x512xbf16> -> vector<256x1024xbf16>
    %convert_element_type3A_9 = arith.extf %concatenate3A : vector<256x1024xbf16> to vector<256x1024xf32>
    %get3A_10 = arith.constant 0 : index
    %get3A_11 = arith.constant 0 : index
    %get3A_12 = vector.load %arg5[%get3A_10, %get3A_11] : memref<1024x2048xf32, #tpu.memory_space<vmem>>, vector<1024x2048xf32>
    %dot_general3A = arith.constant dense<0.000000e+00> : vector<256x2048xf32>
    %dot_general3A_13 = tpu.matmul %convert_element_type3A_9, %get3A_12, %dot_general3A {dimension_numbers = #tpu.dot_dimension_numbers<[1], [0], [0], [1], [0, 0, 1, 1], [], []>, transpose_lhs_hint = false} : vector<256x1024xf32>, vector<1024x2048xf32>, vector<256x2048xf32> -> vector<256x2048xf32>
    %get3A_14 = arith.constant 0 : index
    %get3A_15 = arith.constant 0 : index
    %get3A_16 = vector.load %arg6[%get3A_14, %get3A_15] : memref<1024x2048xf32, #tpu.memory_space<vmem>>, vector<1024x2048xf32>
    %dot_general3A_17 = arith.constant dense<0.000000e+00> : vector<256x2048xf32>
    %dot_general3A_18 = tpu.matmul %convert_element_type3A_9, %get3A_16, %dot_general3A_17 {dimension_numbers = #tpu.dot_dimension_numbers<[1], [0], [0], [1], [0, 0, 1, 1], [], []>, transpose_lhs_hint = false} : vector<256x1024xf32>, vector<1024x2048xf32>, vector<256x2048xf32> -> vector<256x2048xf32>
    %logistic3A = arith.negf %dot_general3A_13 : vector<256x2048xf32>
    %logistic3A_19 = math.exp %logistic3A : vector<256x2048xf32>
    %logistic3A_20 = arith.constant 1.000000e+00 : f32
    %logistic3A_21 = vector.broadcast %logistic3A_20 : f32 to vector<256x2048xf32>
    %logistic3A_22 = arith.addf %logistic3A_21, %logistic3A_19 : vector<256x2048xf32>
    %logistic3A_23 = arith.divf %logistic3A_21, %logistic3A_22 : vector<256x2048xf32>
    %mul3A = arith.mulf %dot_general3A_13, %logistic3A_23 : vector<256x2048xf32>
    %mul3A_24 = arith.mulf %mul3A, %dot_general3A_18 : vector<256x2048xf32>
    %get3A_25 = arith.constant 0 : index
    %get3A_26 = arith.constant 0 : index
    %get3A_27 = vector.load %arg7[%get3A_25, %get3A_26] : memref<2048x1024xf32, #tpu.memory_space<vmem>>, vector<2048x1024xf32>
    %dot_general3A_28 = arith.constant dense<0.000000e+00> : vector<256x1024xf32>
    %dot_general3A_29 = tpu.matmul %mul3A_24, %get3A_27, %dot_general3A_28 {dimension_numbers = #tpu.dot_dimension_numbers<[1], [0], [0], [1], [0, 0, 1, 1], [], []>, transpose_lhs_hint = false} : vector<256x2048xf32>, vector<2048x1024xf32>, vector<256x1024xf32> -> vector<256x1024xf32>
    %get3A_30 = arith.constant 0 : index
    %get3A_31 = arith.constant 0 : index
    %get3A_32 = vector.load %arg8[%get3A_30, %get3A_31] : memref<1024x128xf32, #tpu.memory_space<vmem>>, vector<1024x128xf32>
    %dot_general3A_33 = arith.constant dense<0.000000e+00> : vector<256x128xf32>
    %dot_general3A_34 = tpu.matmul %convert_element_type3A_9, %get3A_32, %dot_general3A_33 {dimension_numbers = #tpu.dot_dimension_numbers<[1], [0], [0], [1], [0, 0, 1, 1], [], []>, transpose_lhs_hint = false} : vector<256x1024xf32>, vector<1024x128xf32>, vector<256x128xf32> -> vector<256x128xf32>
    %logistic3A_35 = arith.negf %dot_general3A_34 : vector<256x128xf32>
    %logistic3A_36 = math.exp %logistic3A_35 : vector<256x128xf32>
    %logistic3A_37 = arith.constant 1.000000e+00 : f32
    %logistic3A_38 = vector.broadcast %logistic3A_37 : f32 to vector<256x128xf32>
    %logistic3A_39 = arith.addf %logistic3A_38, %logistic3A_36 : vector<256x128xf32>
    %logistic3A_40 = arith.divf %logistic3A_38, %logistic3A_39 : vector<256x128xf32>
    %slice3A = vector.extract_strided_slice %logistic3A_40 {offsets = [0, 0], sizes = [256, 1], strides = [1, 1]} : vector<256x128xf32> to vector<256x1xf32>
    %get3A_41 = arith.constant 0 : index
    %get3A_42 = arith.constant 0 : index
    %get3A_43 = vector.load %arg4[%get3A_41, %get3A_42] : memref<256x128xf32, #tpu.memory_space<vmem>>, vector<256x1xf32>
    %get3A_44 = arith.constant 0 : index
    %get3A_45 = arith.constant 1 : index
    %get3A_46 = vector.load %arg4[%get3A_44, %get3A_45] : memref<256x128xf32, #tpu.memory_space<vmem>>, vector<256x1xf32>
    %get3A_47 = arith.constant 0 : index
    %get3A_48 = arith.constant 0 : index
    %get3A_49 = vector.load %arg2[%get3A_47, %get3A_48] : memref<256x512xi32, #tpu.memory_space<vmem>>, vector<256x512xi32>
    %bitcast_convert_type3A_50 = tpu.bitcast %get3A_49 : vector<256x512xi32> -> vector<256x512xi32>
    %and3A_51 = arith.constant 65535 : i32
    %and3A_52 = vector.broadcast %and3A_51 : i32 to vector<256x512xi32>
    %and3A_53 = arith.andi %bitcast_convert_type3A_50, %and3A_52 : vector<256x512xi32>
    %convert_element_type3A_54 = arith.trunci %and3A_53 : vector<256x512xi32> to vector<256x512xi16>
    %bitcast_convert_type3A_55 = tpu.bitcast %convert_element_type3A_54 : vector<256x512xi16> -> vector<256x512xbf16>
    %shift_right_logical3A_56 = arith.constant 16 : i32
    %shift_right_logical3A_57 = vector.broadcast %shift_right_logical3A_56 : i32 to vector<256x512xi32>
    %shift_right_logical3A_58 = arith.shrui %bitcast_convert_type3A_50, %shift_right_logical3A_57 : vector<256x512xi32>
    %convert_element_type3A_59 = arith.trunci %shift_right_logical3A_58 : vector<256x512xi32> to vector<256x512xi16>
    %bitcast_convert_type3A_60 = tpu.bitcast %convert_element_type3A_59 : vector<256x512xi16> -> vector<256x512xbf16>
    %concatenate3A_61 = tpu.concatenate %bitcast_convert_type3A_55, %bitcast_convert_type3A_60 in 1 : vector<256x512xbf16>, vector<256x512xbf16> -> vector<256x1024xbf16>
    %convert_element_type3A_62 = arith.extf %concatenate3A_61 : vector<256x1024xbf16> to vector<256x1024xf32>
    %get3A_63 = arith.constant 0 : index
    %get3A_64 = arith.constant 0 : index
    %get3A_65 = vector.load %arg3[%get3A_63, %get3A_64] : memref<256x512xi32, #tpu.memory_space<vmem>>, vector<256x512xi32>
    %bitcast_convert_type3A_66 = tpu.bitcast %get3A_65 : vector<256x512xi32> -> vector<256x512xi32>
    %and3A_67 = arith.constant 65535 : i32
    %and3A_68 = vector.broadcast %and3A_67 : i32 to vector<256x512xi32>
    %and3A_69 = arith.andi %bitcast_convert_type3A_66, %and3A_68 : vector<256x512xi32>
    %convert_element_type3A_70 = arith.trunci %and3A_69 : vector<256x512xi32> to vector<256x512xi16>
    %bitcast_convert_type3A_71 = tpu.bitcast %convert_element_type3A_70 : vector<256x512xi16> -> vector<256x512xbf16>
    %shift_right_logical3A_72 = arith.constant 16 : i32
    %shift_right_logical3A_73 = vector.broadcast %shift_right_logical3A_72 : i32 to vector<256x512xi32>
    %shift_right_logical3A_74 = arith.shrui %bitcast_convert_type3A_66, %shift_right_logical3A_73 : vector<256x512xi32>
    %convert_element_type3A_75 = arith.trunci %shift_right_logical3A_74 : vector<256x512xi32> to vector<256x512xi16>
    %bitcast_convert_type3A_76 = tpu.bitcast %convert_element_type3A_75 : vector<256x512xi16> -> vector<256x512xbf16>
    %concatenate3A_77 = tpu.concatenate %bitcast_convert_type3A_71, %bitcast_convert_type3A_76 in 1 : vector<256x512xbf16>, vector<256x512xbf16> -> vector<256x1024xbf16>
    %convert_element_type3A_78 = arith.extf %concatenate3A_77 : vector<256x1024xbf16> to vector<256x1024xf32>
    %mul3A_79 = vector.broadcast %get3A_43 : vector<256x1xf32> to vector<256x1024xf32>
    %mul3A_80 = arith.mulf %mul3A_79, %convert_element_type3A_62 : vector<256x1024xf32>
    %mul3A_81 = vector.broadcast %get3A_46 : vector<256x1xf32> to vector<256x1024xf32>
    %mul3A_82 = arith.mulf %mul3A_81, %convert_element_type3A_78 : vector<256x1024xf32>
    %add3A = arith.addf %mul3A_80, %mul3A_82 : vector<256x1024xf32>
    %mul3A_83 = vector.broadcast %slice3A : vector<256x1xf32> to vector<256x1024xf32>
    %mul3A_84 = arith.mulf %mul3A_83, %dot_general3A_29 : vector<256x1024xf32>
    %add3A_85 = arith.addf %add3A, %mul3A_84 : vector<256x1024xf32>
    %swap3A = arith.constant 0 : index
    %swap3A_86 = arith.constant 0 : index
    %swap3A_87 = vector.load %arg9[%swap3A, %swap3A_86] : memref<256x1024xf32, #tpu.memory_space<vmem>>, vector<256x1024xf32>
    tpu.vector_store %arg9[%swap3A, %swap3A_86], %add3A_85 {strides = array<i32>} : memref<256x1024xf32, #tpu.memory_space<vmem>>, vector<256x1024xf32>,
    return
  }
  func.func @transform_0(%arg0: i32) -> (i32, i32) {
    %c0_i32 = arith.constant 0 : i32
    %c0_i32_0 = arith.constant 0 : i32
    return %arg0, %c0_i32 : i32, i32
  }
  func.func @transform_1(%arg0: i32) -> (i32, i32) {
    %c0_i32 = arith.constant 0 : i32
    %c0_i32_0 = arith.constant 0 : i32
    return %arg0, %c0_i32 : i32, i32
  }
  func.func @transform_2(%arg0: i32) -> (i32, i32) {
    %c0_i32 = arith.constant 0 : i32
    %c0_i32_0 = arith.constant 0 : i32
    return %arg0, %c0_i32 : i32, i32
  }
  func.func @transform_3(%arg0: i32) -> (i32, i32) {
    %c0_i32 = arith.constant 0 : i32
    %c0_i32_0 = arith.constant 0 : i32
    return %arg0, %c0_i32 : i32, i32
  }
  func.func @transform_4(%arg0: i32) -> (i32, i32) {
    %c0_i32 = arith.constant 0 : i32
    %c0_i32_0 = arith.constant 0 : i32
    %c0_i32_1 = arith.constant 0 : i32
    return %c0_i32, %c0_i32_0 : i32, i32
  }
  func.func @transform_5(%arg0: i32) -> (i32, i32) {
    %c0_i32 = arith.constant 0 : i32
    %c0_i32_0 = arith.constant 0 : i32
    %c0_i32_1 = arith.constant 0 : i32
    return %c0_i32, %c0_i32_0 : i32, i32
  }
  func.func @transform_6(%arg0: i32) -> (i32, i32) {
    %c0_i32 = arith.constant 0 : i32
    %c0_i32_0 = arith.constant 0 : i32
    %c0_i32_1 = arith.constant 0 : i32
    return %c0_i32, %c0_i32_0 : i32, i32
  }
  func.func @transform_7(%arg0: i32) -> (i32, i32) {
    %c0_i32 = arith.constant 0 : i32
    %c0_i32_0 = arith.constant 0 : i32
    %c0_i32_1 = arith.constant 0 : i32
    return %c0_i32, %c0_i32_0 : i32, i32
  }
  func.func @transform_8(%arg0: i32) -> (i32, i32) {
    %c0_i32 = arith.constant 0 : i32
    %c0_i32_0 = arith.constant 0 : i32
    return %arg0, %c0_i32 : i32, i32
  }
}

</mosaic_0001>

<sc_bundles>
// kernel: kernel.10.cloned.1.call-start
scs
__scs_entry_jumppad:
0x0: {  	(pc) =	sbr.rel $0x88, $3  }
0x1: {  	(tag) =	ssettag $0x0;
	lr =	simm.s32 $0x1  }
0x2: {  	[smem:$0x3F98] =	sst lr;
	_ =	strace $0xD0000000  }
0x3: {  	_ = 	snop  }
0x4: {  	_ = 	snop  }
0x5: {  	_ = 	snop  }
0x6: {  	_ = 	snop  }
0x7: {  	_ = 	snop  }
__scs_overlays_trampoline_lowered:
0x8: {  	[smem:$0x3FA7] =	sst s0  }
0x9: {  	[smem:$0x3FA8] =	sst s1  }
0xa: {  	[smem:$0x3FA9] =	sst s2  }
0xb: {  	[smem:$0x3FAA] =	sst s3  }
0xc: {  	[smem:$0x3FAB] =	sst s4  }
0xd: {  	[smem:$0x3FAC] =	sst s5  }
0xe: {  	[smem:$0x3FAD] =	sst s6  }
0xf: {  	[smem:$0x3FAE] =	sst s7  }
0x10: {  	[smem:$0x3FAF] =	sst s8  }
0x11: {  	[smem:$0x3FB0] =	sst s9;
	s0 =	simm.s32 @!p0 $0x0  }
0x12: {  	s1 =	sld [smem:$0x3F96];
	s0 =	simm.s32 @p0 $0x1  }
0x13: {  	[smem:$0x3FB1] =	sst s0;
	s0 =	simm.s32 @!p1 $0x0  }
0x14: {  	s2 =	sld [smem:$0x3F95];
	s0 =	simm.s32 @p1 $0x1  }
0x15: {  	[smem:$0x3FB2] =	sst s0;
	s0 =	simm.s32 @!p2 $0x0  }
0x16: {  	s3 =	sld [smem:$0x3FDB];
	s0 =	simm.s32 @p2 $0x1  }
0x17: {  	s4 =	simm.s32 $0x1BF5;
	[smem:$0x3FB4] =	sst s0  }
0x18: {  	s0 =	sld [smem:$0x3F97];
	_ =	swait.ge [sflag:s4], $0x0  }
0x19: {  	s7 =	sld [smem:$0x3F98]  }
0x1a: {  	s8 =	sadd.s32 $0xFFFFE003, lr  }
0x1b: {  	s9 =	sadd.s32 $0xFFFFFEF7, lr;
	s5 =	simm.s32 $0xFFFFFFFF;
	p2 =	slt.u32 s8, $0xFFFFF086  }
0x1c: {  	p1 =	slt.u32 s9, $0xF7A;
	s5 =	simm.s32 @!p2 $0x0  }
0x1d: {  	s5 =	simm.s32 @p1 $0x1;
	p0 =	seq.s32 s7, s2  }
0x1e: {  	s7 =	smul.u32 @!p0 $0xF7A, s2;
	p2 =	seq.s32 @!p0 s5, $0x0  }
0x1f: {  	s9 =	smul.u32 $0xF7A, s1;
	s8 =	simm.s32 @!p0 $0x1BF5;
	p2 =	por !p2, p0  }
0x20: {  	[sflag:s8] =	ssyncset.s32 @!p0 $0xFFFFF086;
	s6 =	sadd.s32 @!p0 s3, s7;
	s7 =	simm.s32 @!p0 $0x108  }
0x21: {  	s3 =	sadd.s32 s3, s9;
	s6 =	sadd.s32 @!p0 $0x88, s6;
	s7 =	simm.s32 @p2 $0x1082  }
0x22: {  	[simem:s7], [sflag:s8] =	dma.local @!p0 [hbm:s6], $0xF7A  }
0x23: {  	s9 =	sor.u32 $0xD0000000, s2;
	s6 =	simm.s32 $0x108;
	_ =	swait.ge @!p0 [sflag:s8], $0x0  }
0x24: {  	s3 =	sadd.s32 $0x88, s3;
	s6 =	simm.s32 @!p1 $0x1082;
	[sflag:s4] =	ssyncset.s32 $0xFFFFF086  }
0x25: {  	[simem:s6], [sflag:s4] =	dma.local [hbm:s3], $0xF7A  }
0x26: {  	[smem:$0x3F98] =	sst s1;
	(tag) =	ssettag s2;
	_ =	strace s9  }
0x27: {  	s1 =	sld [smem:$0x3FA8]  }
0x28: {  	s2 =	sld [smem:$0x3FA9]  }
0x29: {  	s4 =	sld [smem:$0x3FAB]  }
0x2a: {  	p0 =	seq.s32 s5, $0x0;
	s5 =	sld [smem:$0x3FAC]  }
0x2b: {  	s6 =	sld [smem:$0x3FAD]  }
0x2c: {  	s7 =	sld [smem:$0x3FAE]  }
0x2d: {  	s3 =	simm.s32 $0x108;
	s8 =	sld [smem:$0x3FAF]  }
0x2e: {  	s3 =	simm.s32 @!p0 $0x1082;
	s9 =	sld [smem:$0x3FB0]  }
0x2f: {  	lr =	sadd.s32 s0, s3;
	s0 =	sld [smem:$0x3FA7]  }
0x30: {  	s3 =	sld [smem:$0x3FAA]  }
0x31: {  	[smem:$0x3FB3] =	sst s10  }
0x32: {  	s10 =	sld [smem:$0x3FB1];
	_ =	sdelay $0x3  }
0x33: {  	p0 =	seq.s32 s10, $0x1;
	s10 =	sld [smem:$0x3FB3];
	_ =	sdelay $0x3  }
0x34: {  	[smem:$0x3FB3] =	sst s10  }
0x35: {  	s10 =	sld [smem:$0x3FB2];
	_ =	sdelay $0x3  }
0x36: {  	p1 =	seq.s32 s10, $0x1;
	s10 =	sld [smem:$0x3FB3];
	_ =	sdelay $0x3  }
0x37: {  	[smem:$0x3FB3] =	sst s10  }
0x38: {  	s10 =	sld [smem:$0x3FB4]  }
0x39: {  	_ = 	snop;
	(pc) =	sbr.ind lr, $3  }
0x3a: {  	_ = 	snop  }
0x3b: {  	_ = 	snop  }
0x3c: {  	p2 =	seq.s32 s10, $0x1;
	s10 =	sld [smem:$0x3FB3]  }
0x3d: {  	_ =	shalt  }
0x3e: {  	_ =	shalt  }
0x3f: {  	_ =	shalt  }
0x40: {  	_ =	shalt  }
0x41: {  	_ =	shalt  }
0x42: {  	_ =	shalt  }
0x43: {  	_ =	shalt  }
0x44: {  	_ =	shalt  }
0x45: {  	_ =	shalt  }
0x46: {  	_ =	shalt  }
0x47: {  	_ =	shalt  }
0x48: {  	_ =	shalt  }
0x49: {  	_ =	shalt  }
0x4a: {  	_ =	shalt  }
0x4b: {  	_ =	shalt  }
0x4c: {  	_ =	shalt  }
0x4d: {  	_ =	shalt  }
0x4e: {  	_ =	shalt  }
0x4f: {  	_ =	shalt  }
0x50: {  	_ =	shalt  }
0x51: {  	_ =	shalt  }
0x52: {  	_ =	shalt  }
0x53: {  	_ =	shalt  }
0x54: {  	_ =	shalt  }
0x55: {  	_ =	shalt  }
0x56: {  	_ =	shalt  }
0x57: {  	_ =	shalt  }
0x58: {  	_ =	shalt  }
0x59: {  	_ =	shalt  }
0x5a: {  	_ =	shalt  }
0x5b: {  	_ =	shalt  }
0x5c: {  	_ =	shalt  }
0x5d: {  	_ =	shalt  }
0x5e: {  	_ =	shalt  }
0x5f: {  	_ =	shalt  }
0x60: {  	_ =	shalt  }
0x61: {  	_ =	shalt  }
0x62: {  	_ =	shalt  }
0x63: {  	_ =	shalt  }
0x64: {  	_ =	shalt  }
0x65: {  	_ =	shalt  }
0x66: {  	_ =	shalt  }
0x67: {  	_ =	shalt  }
0x68: {  	_ =	shalt  }
0x69: {  	_ =	shalt  }
0x6a: {  	_ =	shalt  }
0x6b: {  	_ =	shalt  }
0x6c: {  	_ =	shalt  }
0x6d: {  	_ =	shalt  }
0x6e: {  	_ =	shalt  }
0x6f: {  	_ =	shalt  }
0x70: {  	_ =	shalt  }
0x71: {  	_ =	shalt  }
0x72: {  	_ =	shalt  }
0x73: {  	_ =	shalt  }
0x74: {  	_ =	shalt  }
0x75: {  	_ =	shalt  }
0x76: {  	_ =	shalt  }
0x77: {  	_ =	shalt  }
0x78: {  	_ =	shalt  }
0x79: {  	_ =	shalt  }
0x7a: {  	_ =	shalt  }
0x7b: {  	_ =	shalt  }
0x7c: {  	_ =	shalt  }
0x7d: {  	_ =	shalt  }
0x7e: {  	_ =	shalt  }
0x7f: {  	_ =	shalt  }
0x80: {  	_ =	shalt  }
0x81: {  	_ =	shalt  }
0x82: {  	_ =	shalt  }
0x83: {  	_ =	shalt  }
0x84: {  	_ =	shalt  }
0x85: {  	_ =	shalt  }
0x86: {  	_ =	shalt  }
0x87: {  	_ =	shalt  }
.Lfunc_end0:
.L_simem_size_0:
called_computation.1_lowered:
.L_overlay_start_0:
0x88: {  	s2 =	sld [smem:$0x3FD9]  }
0x89: {  	s3 =	sld [smem:$0x3FFE];
	_ =	sdelay $0x1  }
0x8a: {  	s1 =	srdreg.scid  }
0x8b: {  	s0 =	sand.u32 $0x1, s1  }
0x8c: {  	s16 =	sshll.u32 s0, $0xA;
	s2 =	sadd.s32 s3, s2  }
0x8d: {  	s2 =	sadd.s32 s2, s16  }
0x8e: {  	[smem:$0x3FBF] =	sst s2  }
0x8f: {  	_ = 	snop  }
0x90: {  	(tm) =	ssettm $0x1  }
0x91: {  	s17 =	sld [smem:$0x3FFB];
	_ =	sdelay $0x3  }
0x92: {  	_ =	strace s17  }
0x93: {  	s2 =	sld [smem:$0x3FFC];
	_ =	sdelay $0x3  }
0x94: {  	_ =	strace s2  }
0x95: {  	s2 =	sld [smem:$0x3FFD];
	_ =	sdelay $0x3  }
0x96: {  	_ =	strace s2  }
0x97: {  	_ =	strace $0x8FFFFFFF  }
0x98: {  	s18 =	sld [smem:$0x3FDB];
	_ =	sdelay $0x1  }
0x99: {  	s19 =	simm.s32 $_scs_section_size  }
0x9a: {  	s4 =	simm.s32 $_size__tile_overlayer_lowered;
	s5 =	simm.s32 $_tile_overlayer_lowered  }
0x9b: {  	s22 =	simm.s32 $0x1BFF;
	s21 =	sshll.u32 s5, $0x1;
	s2 =	sadd.s32 s19, s18  }
0x9c: {  	s6 =	simm.s32 $0x0;
	s20 =	sshll.u32 s4, $0x1;
	s4 =	sadd.s32 s21, s2  }
0x9d: {  	[timem:s6], [sflag:s22] =	dma.local [hbm:s4], s20  }
0x9e: {  	_ =	swait.ge [sflag:s22], s20  }
0x9f: {  	s3 =	ssub.s32 $0x0, s20;
	[sflag:s22] =	ssyncset.done $0x0  }
0xa0: {  	[sflag:s22] =	ssyncadd.s32 s3;
	_ =	sdelay $0x1  }
0xa1: {  	s23 =	simm.s32 $0x1B8B  }
0xa2: {  	_ =	swait.ge [sflag:s23], $0x1  }
0xa3: {  	[sflag:s23] =	ssyncset.done $0x0  }
0xa4: {  	s25 =	simm.s32 $0x1B8E;
	s24 =	sld [smem:$0x3FFE];
	[sflag:s23] =	ssyncadd.s32 $0xFFFFFFFF  }
0xa5: {  	s26 =	simm.s32 $execute0_lowered;
	[smem:$0x3FD2] =	sst s25  }
0xa6: {  	s4 =	sshll.u32 s26, $0x1;
	_ =	strace $0x80000049;
	[dreg:$0x1] =	wrdreg $0xFFFFFFFF  }
0xa7: {  	s28 =	simm.s32 $_size_execute0_lowered;
	s2 =	sadd.s32 s2, s4;
	[dreg:$0x0] =	wrdreg $0x0  }
0xa8: {  	s4 =	sshll.u32 s28, $0x1;
	[dreg:$0x2] =	wrdreg s2  }
0xa9: {  	[dreg:$0x3] =	wrdreg s4  }
0xaa: {  	[dreg:$0x4] =	wrdreg $0xC0  }
0xab: {  	_ =	task [dreg:s6], $0x5FFFF  }
0xac: {  	[dreg:$0x1] =	wrdreg $0xFFFFFFFF  }
0xad: {  	[dreg:$0x0] =	wrdreg $0x60  }
0xae: {  	[dreg:$0x2] =	wrdreg s24  }
0xaf: {  	[dreg:$0x3] =	wrdreg $0x9  }
0xb0: {  	_ =	task.clear_ibuf [dreg:s6], $0x4FFFF;
	_ =	strace $0x90000049  }
0xb1: {  	s29 =	simm.s32 $0x9;
	_ =	strace $0x8000004B  }
0xb2: {  	_ =	swait.ge [sflag:s29], $0x1  }
0xb3: {  	[sflag:s29] =	ssyncadd.s32 $0xFFFFFFFF  }
0xb4: {  	_ =	strace $0x9000004B  }
0xb5: {  	_ =	sfence  }
0xb6: {  	s30 =	sld [smem:$0x0];
	_ =	sdelay $0x2  }
0xb7: {  	s31 =	sshll.u32 s1, $0xD;
	s1 =	sshrl.u32 s1, $0x2  }
0xb8: {  	s3 =	sand.u32 $0x4000, s31;
	s1 =	sadd.s32 s1, s30  }
0xb9: {  	s0 =	sor.u32 s3, s0;
	s1 =	sshll.u32 s1, $0x11  }
0xba: {  	s0 =	sor.u32 s1, s0  }
0xbb: {  	s0 =	sadd.s32 $0x8F2B, s0  }
0xbc: {  	[sflag:s0] =	ssyncadd.remote.s32 $0x1  }
0xbd: {  	_ =	sfence.sel $0xFFFF  }
0xbe: {  	[dreg:$0x0] =	wrdreg $0xFFFFFFFF;
	(pc) =	sbr.abs _section_cstart, $3  }
0xbf: {  	[dreg:$0x1] =	wrdreg $0xFFFFFFFF  }
0xc0: {  	_ =	task.clear_ibuf [dreg:s6], $0x2FFFF;
	_ =	strace $0x9FFFFFFF  }
0xc1: {  	(tm) =	ssettm $0x7FFFFFFF  }
tec
execute0_lowered:
.L_overlay_start_1:
0x0: {  	(tag) =	ssettag $0x1  }
0x1: {  	s5 =	rddreg [dreg:$0x0]  }
0x2: {  	s0 =	rddreg [dreg:$0x1];
	s2 =	simm.s32 $0x0;
	s3 =	srdreg.scid  }
0x3: {  	s1 =	stileid.u32;
	s11 =	simm.s32 $0x80;
	s12 =	simm.s32 $0x880  }
0x4: {  	s13 =	simm.s32 $0x1080;
	s14 =	simm.s32 $0x1880;
	s15 =	simm.s32 $0x2080  }
0x5: {  	s16 =	simm.s32 $0x2880;
	s17 =	simm.s32 $0x3080;
	s18 =	simm.s32 $0x3880  }
0x6: {  	s19 =	simm.s32 $0x4080;
	s20 =	simm.s32 $0x4880;
	s21 =	simm.s32 $0x5080  }
0x7: {  	s22 =	simm.s32 $0x5880;
	s23 =	simm.s32 $0x6080;
	s24 =	simm.s32 $0x6880  }
0x8: {  	s25 =	simm.s32 $0x7080;
	s26 =	simm.s32 $0x7880;
	s28 =	simm.s32 $0x1  }
0x9: {  	[smem:$0x7FF] =	sst s2;
	s4 =	sand.u32 $0x1, s3;
	s6 =	sshll.u32 s1, $0x7  }
0xa: {  	s3 =	sadd.s32 $0x1200, s5;
	s7 =	sshll.u32 s4, $0x6;
	s4 =	ssub.s32 $0x2, s4  }
0xb: {  	_ =	strace $0x8000004A;
	s6 =	sor.u32 s7, s6;
	s8 =	sshrl.u32 s4, $0x1  }
0xc: {  	s7 =	sshrl.u32 s6, $0x3;
	s6 =	sshll.u32 s6, $0x6;
	s10 =	ssub.s32 s4, s8  }
0xd: {  	v2 =	vlaneseq.u32;
	s7 =	sadd.s32 s7, s5;
	s9 =	sadd.s32 s6, s5;
	s5 =	sadd.s32 $0x1300, s5  }
0xe: {  	vm0 =	vmmov $0xffff;
	v1 =	vshrl.u32 v2, $0x3;
	s4 =	sadd.s32 $0xE00, s7;
	s6 =	sadd.s32 $0x61200, s9;
	s7 =	sadd.s32 $0x1000, s7  }
0xf: {  	v0 =	vand.u32 $0x7, v2;
	v2 =	vor.u32 $0x8, v2;
	v1 =	vmul.u32 $0x8, v1;
	s8 =	sadd.s32 $0x81200, s9;
	s9 =	smax.u32 s10, $0x1;
	s10 =	simm.s32 $0x2  }
.LBB2_1:
0x10: {  	[tilespmem:s2], [sflag:$0x2] =	stream.linear.gather [hbm4b:s4+s2], $0x40, $0x38;
	[tilespmem:$0x8080] =	vst v63  }
0x11: {  	_ =	swait.ge [sflag:s10], $0x40  }
0x12: {  	[sflag:s10] =	ssyncset.done $0x0  }
0x13: {  	[sflag:s10] =	ssyncadd.s32 $0xFFFFFFC0  }
0x14: {  	v3 =	vld [tilespmem:$0x0];
	_ =	sdelay $0x4  }
0x15: {  	v4 =	vshll.u32 v3, $0x2  }
0x16: {  	v3 =	vand.u32 $0x7, v3;
	v4 =	vand.u32 $0xFFFFFFE0, v4  }
0x17: {  	v3 =	vor.u32 v3, v4  }
0x18: {  	v4 =	vperm.xlane v3, v0;
	_ =	sdelay $0x1  }
0x19: {  	v4 =	vadd.s32 v1, v4;
	_ =	sdelay $0x1  }
0x1a: {  	v3 =	vperm.xlane v3, v2;
	_ =	sdelay $0x1  }
0x1b: {  	v3 =	vadd.s32 v1, v3  }
0x1c: {  	[tilespmem:s11], [sflag:$0x1] =	stream.indirect_vreg.gather [hbm4b:s3+s2], $0x80, v4, vm0, $0xb8;
	[tilespmem:$0x8080] =	vst v63  }
0x1d: {  	_ = 	snop  }
0x1e: {  	[tilespmem:s12], [sflag:$0x1] =	stream.indirect_vreg.gather [hbm4b:s5+s2], $0x80, v4, vm0, $0xb8;
	[tilespmem:$0x8080] =	vst v63  }
0x1f: {  	_ = 	snop  }
0x20: {  	[tilespmem:s13], [sflag:$0x1] =	stream.indirect_vreg.gather [hbm4b:s3+s2], $0x80, v3, vm0, $0xb8;
	[tilespmem:$0x8080] =	vst v63  }
0x21: {  	_ = 	snop  }
0x22: {  	[tilespmem:s14], [sflag:$0x1] =	stream.indirect_vreg.gather [hbm4b:s5+s2], $0x80, v3, vm0, $0xb8;
	[tilespmem:$0x8080] =	vst v63  }
0x23: {  	v3 =	vld [tilespmem:$0x10];
	_ =	sdelay $0x4  }
0x24: {  	v57 =	vshll.u32 v3, $0x2  }
0x25: {  	v3 =	vand.u32 $0x7, v3;
	v4 =	vand.u32 $0xFFFFFFE0, v57  }
0x26: {  	v3 =	vor.u32 v3, v4  }
0x27: {  	v4 =	vperm.xlane v3, v0;
	_ =	sdelay $0x1  }
0x28: {  	v4 =	vadd.s32 v1, v4;
	_ =	sdelay $0x1  }
0x29: {  	v3 =	vperm.xlane v3, v2;
	_ =	sdelay $0x1  }
0x2a: {  	v3 =	vadd.s32 v1, v3  }
0x2b: {  	[tilespmem:s15], [sflag:$0x1] =	stream.indirect_vreg.gather [hbm4b:s3+s2], $0x80, v4, vm0, $0xb8;
	[tilespmem:$0x8080] =	vst v63  }
0x2c: {  	_ = 	snop  }
0x2d: {  	[tilespmem:s16], [sflag:$0x1] =	stream.indirect_vreg.gather [hbm4b:s5+s2], $0x80, v4, vm0, $0xb8;
	[tilespmem:$0x8080] =	vst v63  }
0x2e: {  	_ = 	snop  }
0x2f: {  	[tilespmem:s17], [sflag:$0x1] =	stream.indirect_vreg.gather [hbm4b:s3+s2], $0x80, v3, vm0, $0xb8;
	[tilespmem:$0x8080] =	vst v63  }
0x30: {  	_ = 	snop  }
0x31: {  	[tilespmem:s18], [sflag:$0x1] =	stream.indirect_vreg.gather [hbm4b:s5+s2], $0x80, v3, vm0, $0xb8;
	[tilespmem:$0x8080] =	vst v63  }
0x32: {  	v3 =	vld [tilespmem:$0x20];
	_ =	sdelay $0x4  }
0x33: {  	v58 =	vshll.u32 v3, $0x2  }
0x34: {  	v3 =	vand.u32 $0x7, v3;
	v4 =	vand.u32 $0xFFFFFFE0, v58  }
0x35: {  	v3 =	vor.u32 v3, v4  }
0x36: {  	v4 =	vperm.xlane v3, v0;
	_ =	sdelay $0x1  }
0x37: {  	v4 =	vadd.s32 v1, v4;
	_ =	sdelay $0x1  }
0x38: {  	v3 =	vperm.xlane v3, v2;
	_ =	sdelay $0x1  }
0x39: {  	v3 =	vadd.s32 v1, v3  }
0x3a: {  	[tilespmem:s19], [sflag:$0x1] =	stream.indirect_vreg.gather [hbm4b:s3+s2], $0x80, v4, vm0, $0xb8;
	[tilespmem:$0x8080] =	vst v63  }
0x3b: {  	_ = 	snop  }
0x3c: {  	[tilespmem:s20], [sflag:$0x1] =	stream.indirect_vreg.gather [hbm4b:s5+s2], $0x80, v4, vm0, $0xb8;
	[tilespmem:$0x8080] =	vst v63  }
0x3d: {  	_ = 	snop  }
0x3e: {  	[tilespmem:s21], [sflag:$0x1] =	stream.indirect_vreg.gather [hbm4b:s3+s2], $0x80, v3, vm0, $0xb8;
	[tilespmem:$0x8080] =	vst v63  }
0x3f: {  	_ = 	snop  }
0x40: {  	[tilespmem:s22], [sflag:$0x1] =	stream.indirect_vreg.gather [hbm4b:s5+s2], $0x80, v3, vm0, $0xb8;
	[tilespmem:$0x8080] =	vst v63  }
0x41: {  	v3 =	vld [tilespmem:$0x30];
	_ =	sdelay $0x4  }
0x42: {  	v59 =	vshll.u32 v3, $0x2  }
0x43: {  	v3 =	vand.u32 $0x7, v3;
	v4 =	vand.u32 $0xFFFFFFE0, v59  }
0x44: {  	v3 =	vor.u32 v3, v4  }
0x45: {  	v4 =	vperm.xlane v3, v0;
	_ =	sdelay $0x1  }
0x46: {  	v4 =	vadd.s32 v1, v4;
	_ =	sdelay $0x1  }
0x47: {  	v3 =	vperm.xlane v3, v2;
	_ =	sdelay $0x1  }
0x48: {  	v3 =	vadd.s32 v1, v3  }
0x49: {  	[tilespmem:s23], [sflag:$0x1] =	stream.indirect_vreg.gather [hbm4b:s3+s2], $0x80, v4, vm0, $0xb8;
	[tilespmem:$0x8080] =	vst v63  }
0x4a: {  	_ = 	snop  }
0x4b: {  	[tilespmem:s24], [sflag:$0x1] =	stream.indirect_vreg.gather [hbm4b:s5+s2], $0x80, v4, vm0, $0xb8;
	[tilespmem:$0x8080] =	vst v63  }
0x4c: {  	_ = 	snop  }
0x4d: {  	[tilespmem:s25], [sflag:$0x1] =	stream.indirect_vreg.gather [hbm4b:s3+s2], $0x80, v3, vm0, $0xb8;
	[tilespmem:$0x8080] =	vst v63  }
0x4e: {  	_ = 	snop  }
0x4f: {  	[tilespmem:s26], [sflag:$0x1] =	stream.indirect_vreg.gather [hbm4b:s5+s2], $0x80, v3, vm0, $0xb8;
	[tilespmem:$0x8080] =	vst v63  }
0x50: {  	_ =	swait.ge [sflag:s28], $0x8000  }
0x51: {  	[sflag:s28] =	ssyncset.done $0x0  }
0x52: {  	[sflag:s28] =	ssyncadd.s32 $0xFFFF8000  }
0x53: {  	[hbm4b:s6+s2] =	stream.linear.scatter [tilespmem:s11], [sflag:$0x2], $0x8000, $0x38;
	[tilespmem:$0x8080] =	vst v63  }
0x54: {  	_ =	swait.ge [sflag:s10], $0x8000  }
0x55: {  	[sflag:s10] =	ssyncset.done $0x0  }
0x56: {  	[sflag:s10] =	ssyncadd.s32 $0xFFFF8000  }
0x57: {  	[tilespmem:s2], [sflag:$0x2] =	stream.linear.gather [hbm4b:s7+s2], $0x40, $0x38;
	[tilespmem:$0x8080] =	vst v63  }
0x58: {  	_ =	swait.ge [sflag:s10], $0x40  }
0x59: {  	[sflag:s10] =	ssyncset.done $0x0  }
0x5a: {  	[sflag:s10] =	ssyncadd.s32 $0xFFFFFFC0  }
0x5b: {  	v3 =	vld [tilespmem:$0x0];
	_ =	sdelay $0x4  }
0x5c: {  	v60 =	vshll.u32 v3, $0x2  }
0x5d: {  	v3 =	vand.u32 $0x7, v3;
	v4 =	vand.u32 $0xFFFFFFE0, v60  }
0x5e: {  	v3 =	vor.u32 v3, v4  }
0x5f: {  	v4 =	vperm.xlane v3, v0;
	_ =	sdelay $0x1  }
0x60: {  	v4 =	vadd.s32 v1, v4;
	_ =	sdelay $0x1  }
0x61: {  	v3 =	vperm.xlane v3, v2;
	_ =	sdelay $0x1  }
0x62: {  	v3 =	vadd.s32 v1, v3  }
0x63: {  	[tilespmem:s11], [sflag:$0x1] =	stream.indirect_vreg.gather [hbm4b:s3+s2], $0x80, v4, vm0, $0xb8;
	[tilespmem:$0x8080] =	vst v63  }
0x64: {  	_ = 	snop  }
0x65: {  	[tilespmem:s12], [sflag:$0x1] =	stream.indirect_vreg.gather [hbm4b:s5+s2], $0x80, v4, vm0, $0xb8;
	[tilespmem:$0x8080] =	vst v63  }
0x66: {  	_ = 	snop  }
0x67: {  	[tilespmem:s13], [sflag:$0x1] =	stream.indirect_vreg.gather [hbm4b:s3+s2], $0x80, v3, vm0, $0xb8;
	[tilespmem:$0x8080] =	vst v63  }
0x68: {  	_ = 	snop  }
0x69: {  	[tilespmem:s14], [sflag:$0x1] =	stream.indirect_vreg.gather [hbm4b:s5+s2], $0x80, v3, vm0, $0xb8;
	[tilespmem:$0x8080] =	vst v63  }
0x6a: {  	v3 =	vld [tilespmem:$0x10];
	_ =	sdelay $0x4  }
0x6b: {  	v61 =	vshll.u32 v3, $0x2  }
0x6c: {  	v3 =	vand.u32 $0x7, v3;
	v4 =	vand.u32 $0xFFFFFFE0, v61  }
0x6d: {  	v3 =	vor.u32 v3, v4  }
0x6e: {  	v4 =	vperm.xlane v3, v0;
	_ =	sdelay $0x1  }
0x6f: {  	v4 =	vadd.s32 v1, v4;
	_ =	sdelay $0x1  }
0x70: {  	v3 =	vperm.xlane v3, v2;
	_ =	sdelay $0x1  }
0x71: {  	v3 =	vadd.s32 v1, v3  }
0x72: {  	[tilespmem:s15], [sflag:$0x1] =	stream.indirect_vreg.gather [hbm4b:s3+s2], $0x80, v4, vm0, $0xb8;
	[tilespmem:$0x8080] =	vst v63  }
0x73: {  	_ = 	snop  }
0x74: {  	[tilespmem:s16], [sflag:$0x1] =	stream.indirect_vreg.gather [hbm4b:s5+s2], $0x80, v4, vm0, $0xb8;
	[tilespmem:$0x8080] =	vst v63  }
0x75: {  	_ = 	snop  }
0x76: {  	[tilespmem:s17], [sflag:$0x1] =	stream.indirect_vreg.gather [hbm4b:s3+s2], $0x80, v3, vm0, $0xb8;
	[tilespmem:$0x8080] =	vst v63  }
0x77: {  	_ = 	snop  }
0x78: {  	[tilespmem:s18], [sflag:$0x1] =	stream.indirect_vreg.gather [hbm4b:s5+s2], $0x80, v3, vm0, $0xb8;
	[tilespmem:$0x8080] =	vst v63  }
0x79: {  	v3 =	vld [tilespmem:$0x20];
	_ =	sdelay $0x4  }
0x7a: {  	v62 =	vshll.u32 v3, $0x2  }
0x7b: {  	v3 =	vand.u32 $0x7, v3;
	v4 =	vand.u32 $0xFFFFFFE0, v62  }
0x7c: {  	v3 =	vor.u32 v3, v4  }
0x7d: {  	v4 =	vperm.xlane v3, v0;
	_ =	sdelay $0x1  }
0x7e: {  	v4 =	vadd.s32 v1, v4;
	_ =	sdelay $0x1  }
0x7f: {  	v3 =	vperm.xlane v3, v2;
	_ =	sdelay $0x1  }
0x80: {  	v3 =	vadd.s32 v1, v3  }
0x81: {  	[tilespmem:s19], [sflag:$0x1] =	stream.indirect_vreg.gather [hbm4b:s3+s2], $0x80, v4, vm0, $0xb8;
	[tilespmem:$0x8080] =	vst v63  }
0x82: {  	_ = 	snop  }
0x83: {  	[tilespmem:s20], [sflag:$0x1] =	stream.indirect_vreg.gather [hbm4b:s5+s2], $0x80, v4, vm0, $0xb8;
	[tilespmem:$0x8080] =	vst v63  }
0x84: {  	_ = 	snop  }
0x85: {  	[tilespmem:s21], [sflag:$0x1] =	stream.indirect_vreg.gather [hbm4b:s3+s2], $0x80, v3, vm0, $0xb8;
	[tilespmem:$0x8080] =	vst v63  }
0x86: {  	_ = 	snop  }
0x87: {  	[tilespmem:s22], [sflag:$0x1] =	stream.indirect_vreg.gather [hbm4b:s5+s2], $0x80, v3, vm0, $0xb8;
	[tilespmem:$0x8080] =	vst v63  }
0x88: {  	v3 =	vld [tilespmem:$0x30];
	_ =	sdelay $0x4  }
0x89: {  	v63 =	vshll.u32 v3, $0x2  }
0x8a: {  	v3 =	vand.u32 $0x7, v3;
	v4 =	vand.u32 $0xFFFFFFE0, v63  }
0x8b: {  	v3 =	vor.u32 v3, v4  }
0x8c: {  	v4 =	vperm.xlane v3, v0;
	_ =	sdelay $0x1  }
0x8d: {  	v4 =	vadd.s32 v1, v4;
	_ =	sdelay $0x1  }
0x8e: {  	v3 =	vperm.xlane v3, v2;
	_ =	sdelay $0x1  }
0x8f: {  	v3 =	vadd.s32 v1, v3  }
0x90: {  	[tilespmem:s23], [sflag:$0x1] =	stream.indirect_vreg.gather [hbm4b:s3+s2], $0x80, v4, vm0, $0xb8;
	[tilespmem:$0x8080] =	vst v63  }
0x91: {  	_ = 	snop  }
0x92: {  	[tilespmem:s24], [sflag:$0x1] =	stream.indirect_vreg.gather [hbm4b:s5+s2], $0x80, v4, vm0, $0xb8;
	[tilespmem:$0x8080] =	vst v63  }
0x93: {  	_ = 	snop  }
0x94: {  	[tilespmem:s25], [sflag:$0x1] =	stream.indirect_vreg.gather [hbm4b:s3+s2], $0x80, v3, vm0, $0xb8;
	[tilespmem:$0x8080] =	vst v63  }
0x95: {  	_ = 	snop  }
0x96: {  	[tilespmem:s26], [sflag:$0x1] =	stream.indirect_vreg.gather [hbm4b:s5+s2], $0x80, v3, vm0, $0xb8;
	[tilespmem:$0x8080] =	vst v63  }
0x97: {  	_ =	swait.ge [sflag:s28], $0x8000  }
0x98: {  	p0 =	sne.s32 s9, $0x1;
	[sflag:s28] =	ssyncset.done $0x0  }
.Ltmp0:
0x99: {  	[sflag:s28] =	ssyncadd.s32 $0xFFFF8000;
	(pc) =	sbr.rel @p0 .LBB2_1-.Ltmp0, $4  }
0x9a: {  	[hbm4b:s8+s2] =	stream.linear.scatter [tilespmem:s11], [sflag:$0x2], $0x8000, $0x38;
	[tilespmem:$0x8080] =	vst v63  }
0x9b: {  	_ =	swait.ge [sflag:s10], $0x8000  }
0x9c: {  	[sflag:s10] =	ssyncset.done $0x0  }
0x9d: {  	s9 =	sadd.s32 $0xFFFFFFFF, s9;
	[sflag:s10] =	ssyncadd.s32 $0xFFFF8000  }
0x9e: {  	_ =	sfence.sel $0x180000  }
0x9f: {  	[bflag:$0x0] =	sbarrier.arrive $0xFFFF  }
0xa0: {  	p0 =	sne.s32 s1, $0x0;
	_ =	strace $0x9000004A  }
0xa1: {  	s0 =	sadd.s32 @!p0 $0x100000, s0;
	[bflag:$0x2] =	sbarrier.arrive $0xFFFF  }
0xa2: {  	[sflag:s0] =	ssyncadd.tile.s32 @!p0 $0x1;
	_ =	shalt  }
.Lfunc_end2:
_tile_overlayer_lowered:
.L_overlay_start_2:
0xa3: {  	(tag) =	ssettag $0x2  }
0xa4: {  	s0 =	rddreg [dreg:$0x0];
	s2 =	stileid.u32  }
0xa5: {  	s1 =	rddreg [dreg:$0x1];
	p0 =	sne.s32 s2, $0x0  }
0xa6: {  	s3 =	rddreg [dreg:$0x2];
	[bflag:$0x3] =	sbarrier.arrive $0xFFFF;
	s2 =	simm.s32 @!p0 $0x1C02  }
0xa7: {  	[timem:s3], [sflag:s2] =	dma.local @!p0 [hbm:s0], s1  }
0xa8: {  	s0 =	simm.s32 @!p0 $0x2  }
0xa9: {  	_ =	swait.ge @!p0 [sflag:s0], s1  }
0xaa: {  	s1 =	ssub.s32 @!p0 $0x0, s1;
	[sflag:s0] =	ssyncset.done @!p0 $0x0  }
0xab: {  	[sflag:s0] =	ssyncadd.s32 @!p0 s1  }
0xac: {  	[bflag:$0x3] =	sbarrier.arrive $0xFFFF  }
0xad: {  	_ =	shalt  }

// kernel: kernel.7.cloned.1.call-start
scs
__scs_entry_jumppad:
0x0: {  	(pc) =	sbr.rel $0x88, $3  }
0x1: {  	(tag) =	ssettag $0x0;
	lr =	simm.s32 $0x1  }
0x2: {  	[smem:$0x3F98] =	sst lr;
	_ =	strace $0xD0000000  }
0x3: {  	_ = 	snop  }
0x4: {  	_ = 	snop  }
0x5: {  	_ = 	snop  }
0x6: {  	_ = 	snop  }
0x7: {  	_ = 	snop  }
__scs_overlays_trampoline_lowered:
0x8: {  	[smem:$0x3FA7] =	sst s0  }
0x9: {  	[smem:$0x3FA8] =	sst s1  }
0xa: {  	[smem:$0x3FA9] =	sst s2  }
0xb: {  	[smem:$0x3FAA] =	sst s3  }
0xc: {  	[smem:$0x3FAB] =	sst s4  }
0xd: {  	[smem:$0x3FAC] =	sst s5  }
0xe: {  	[smem:$0x3FAD] =	sst s6  }
0xf: {  	[smem:$0x3FAE] =	sst s7  }
0x10: {  	[smem:$0x3FAF] =	sst s8  }
0x11: {  	[smem:$0x3FB0] =	sst s9;
	s0 =	simm.s32 @!p0 $0x0  }
0x12: {  	s1 =	sld [smem:$0x3F96];
	s0 =	simm.s32 @p0 $0x1  }
0x13: {  	[smem:$0x3FB1] =	sst s0;
	s0 =	simm.s32 @!p1 $0x0  }
0x14: {  	s2 =	sld [smem:$0x3F95];
	s0 =	simm.s32 @p1 $0x1  }
0x15: {  	[smem:$0x3FB2] =	sst s0;
	s0 =	simm.s32 @!p2 $0x0  }
0x16: {  	s3 =	sld [smem:$0x3FDB];
	s0 =	simm.s32 @p2 $0x1  }
0x17: {  	s4 =	simm.s32 $0x1BF5;
	[smem:$0x3FB4] =	sst s0  }
0x18: {  	s0 =	sld [smem:$0x3F97];
	_ =	swait.ge [sflag:s4], $0x0  }
0x19: {  	s7 =	sld [smem:$0x3F98]  }
0x1a: {  	s8 =	sadd.s32 $0xFFFFE003, lr  }
0x1b: {  	s9 =	sadd.s32 $0xFFFFFEF7, lr;
	s5 =	simm.s32 $0xFFFFFFFF;
	p2 =	slt.u32 s8, $0xFFFFF086  }
0x1c: {  	p1 =	slt.u32 s9, $0xF7A;
	s5 =	simm.s32 @!p2 $0x0  }
0x1d: {  	s5 =	simm.s32 @p1 $0x1;
	p0 =	seq.s32 s7, s2  }
0x1e: {  	s7 =	smul.u32 @!p0 $0xF7A, s2;
	p2 =	seq.s32 @!p0 s5, $0x0  }
0x1f: {  	s9 =	smul.u32 $0xF7A, s1;
	s8 =	simm.s32 @!p0 $0x1BF5;
	p2 =	por !p2, p0  }
0x20: {  	[sflag:s8] =	ssyncset.s32 @!p0 $0xFFFFF086;
	s6 =	sadd.s32 @!p0 s3, s7;
	s7 =	simm.s32 @!p0 $0x108  }
0x21: {  	s3 =	sadd.s32 s3, s9;
	s6 =	sadd.s32 @!p0 $0x88, s6;
	s7 =	simm.s32 @p2 $0x1082  }
0x22: {  	[simem:s7], [sflag:s8] =	dma.local @!p0 [hbm:s6], $0xF7A  }
0x23: {  	s9 =	sor.u32 $0xD0000000, s2;
	s6 =	simm.s32 $0x108;
	_ =	swait.ge @!p0 [sflag:s8], $0x0  }
0x24: {  	s3 =	sadd.s32 $0x88, s3;
	s6 =	simm.s32 @!p1 $0x1082;
	[sflag:s4] =	ssyncset.s32 $0xFFFFF086  }
0x25: {  	[simem:s6], [sflag:s4] =	dma.local [hbm:s3], $0xF7A  }
0x26: {  	[smem:$0x3F98] =	sst s1;
	(tag) =	ssettag s2;
	_ =	strace s9  }
0x27: {  	s1 =	sld [smem:$0x3FA8]  }
0x28: {  	s2 =	sld [smem:$0x3FA9]  }
0x29: {  	s4 =	sld [smem:$0x3FAB]  }
0x2a: {  	p0 =	seq.s32 s5, $0x0;
	s5 =	sld [smem:$0x3FAC]  }
0x2b: {  	s6 =	sld [smem:$0x3FAD]  }
0x2c: {  	s7 =	sld [smem:$0x3FAE]  }
0x2d: {  	s3 =	simm.s32 $0x108;
	s8 =	sld [smem:$0x3FAF]  }
0x2e: {  	s3 =	simm.s32 @!p0 $0x1082;
	s9 =	sld [smem:$0x3FB0]  }
0x2f: {  	lr =	sadd.s32 s0, s3;
	s0 =	sld [smem:$0x3FA7]  }
0x30: {  	s3 =	sld [smem:$0x3FAA]  }
0x31: {  	[smem:$0x3FB3] =	sst s10  }
0x32: {  	s10 =	sld [smem:$0x3FB1];
	_ =	sdelay $0x3  }
0x33: {  	p0 =	seq.s32 s10, $0x1;
	s10 =	sld [smem:$0x3FB3];
	_ =	sdelay $0x3  }
0x34: {  	[smem:$0x3FB3] =	sst s10  }
0x35: {  	s10 =	sld [smem:$0x3FB2];
	_ =	sdelay $0x3  }
0x36: {  	p1 =	seq.s32 s10, $0x1;
	s10 =	sld [smem:$0x3FB3];
	_ =	sdelay $0x3  }
0x37: {  	[smem:$0x3FB3] =	sst s10  }
0x38: {  	s10 =	sld [smem:$0x3FB4]  }
0x39: {  	_ = 	snop;
	(pc) =	sbr.ind lr, $3  }
0x3a: {  	_ = 	snop  }
0x3b: {  	_ = 	snop  }
0x3c: {  	p2 =	seq.s32 s10, $0x1;
	s10 =	sld [smem:$0x3FB3]  }
0x3d: {  	_ =	shalt  }
0x3e: {  	_ =	shalt  }
0x3f: {  	_ =	shalt  }
0x40: {  	_ =	shalt  }
0x41: {  	_ =	shalt  }
0x42: {  	_ =	shalt  }
0x43: {  	_ =	shalt  }
0x44: {  	_ =	shalt  }
0x45: {  	_ =	shalt  }
0x46: {  	_ =	shalt  }
0x47: {  	_ =	shalt  }
0x48: {  	_ =	shalt  }
0x49: {  	_ =	shalt  }
0x4a: {  	_ =	shalt  }
0x4b: {  	_ =	shalt  }
0x4c: {  	_ =	shalt  }
0x4d: {  	_ =	shalt  }
0x4e: {  	_ =	shalt  }
0x4f: {  	_ =	shalt  }
0x50: {  	_ =	shalt  }
0x51: {  	_ =	shalt  }
0x52: {  	_ =	shalt  }
0x53: {  	_ =	shalt  }
0x54: {  	_ =	shalt  }
0x55: {  	_ =	shalt  }
0x56: {  	_ =	shalt  }
0x57: {  	_ =	shalt  }
0x58: {  	_ =	shalt  }
0x59: {  	_ =	shalt  }
0x5a: {  	_ =	shalt  }
0x5b: {  	_ =	shalt  }
0x5c: {  	_ =	shalt  }
0x5d: {  	_ =	shalt  }
0x5e: {  	_ =	shalt  }
0x5f: {  	_ =	shalt  }
0x60: {  	_ =	shalt  }
0x61: {  	_ =	shalt  }
0x62: {  	_ =	shalt  }
0x63: {  	_ =	shalt  }
0x64: {  	_ =	shalt  }
0x65: {  	_ =	shalt  }
0x66: {  	_ =	shalt  }
0x67: {  	_ =	shalt  }
0x68: {  	_ =	shalt  }
0x69: {  	_ =	shalt  }
0x6a: {  	_ =	shalt  }
0x6b: {  	_ =	shalt  }
0x6c: {  	_ =	shalt  }
0x6d: {  	_ =	shalt  }
0x6e: {  	_ =	shalt  }
0x6f: {  	_ =	shalt  }
0x70: {  	_ =	shalt  }
0x71: {  	_ =	shalt  }
0x72: {  	_ =	shalt  }
0x73: {  	_ =	shalt  }
0x74: {  	_ =	shalt  }
0x75: {  	_ =	shalt  }
0x76: {  	_ =	shalt  }
0x77: {  	_ =	shalt  }
0x78: {  	_ =	shalt  }
0x79: {  	_ =	shalt  }
0x7a: {  	_ =	shalt  }
0x7b: {  	_ =	shalt  }
0x7c: {  	_ =	shalt  }
0x7d: {  	_ =	shalt  }
0x7e: {  	_ =	shalt  }
0x7f: {  	_ =	shalt  }
0x80: {  	_ =	shalt  }
0x81: {  	_ =	shalt  }
0x82: {  	_ =	shalt  }
0x83: {  	_ =	shalt  }
0x84: {  	_ =	shalt  }
0x85: {  	_ =	shalt  }
0x86: {  	_ =	shalt  }
0x87: {  	_ =	shalt  }
.Lfunc_end0:
.L_simem_size_0:
called_computation_lowered:
.L_overlay_start_0:
0x88: {  	s2 =	sld [smem:$0x3FD9]  }
0x89: {  	s3 =	sld [smem:$0x3FFE];
	_ =	sdelay $0x1  }
0x8a: {  	s1 =	srdreg.scid  }
0x8b: {  	s0 =	sand.u32 $0x1, s1  }
0x8c: {  	s14 =	sshll.u32 s0, $0xA;
	s2 =	sadd.s32 s3, s2  }
0x8d: {  	s2 =	sadd.s32 s2, s14  }
0x8e: {  	[smem:$0x3FBF] =	sst s2  }
0x8f: {  	_ = 	snop  }
0x90: {  	s2 =	sld [smem:$0x3FD0];
	_ =	sdelay $0x2  }
0x91: {  	s15 =	simm.s32 $0xA;
	s4 =	simm.s32 $0x10  }
0x92: {  	[smem:s4], [sflag:s15] =	dma.local [hbm:s2], $0x1  }
0x93: {  	_ =	swait.eq [sflag:s15], $0x1  }
0x94: {  	[sflag:s15] =	ssyncset.done $0x0  }
0x95: {  	s16 =	sld [smem:$0x10];
	[sflag:s15] =	ssyncadd.s32 $0xFFFFFFFF  }
0x96: {  	s17 =	sld [smem:$0x12];
	(tm) =	ssettm $0x1  }
0x97: {  	s18 =	sld [smem:$0x3FFB];
	_ =	sdelay $0x3  }
0x98: {  	_ =	strace s18  }
0x99: {  	s4 =	sld [smem:$0x3FFC];
	_ =	sdelay $0x3  }
0x9a: {  	_ =	strace s4  }
0x9b: {  	s4 =	sld [smem:$0x3FFD];
	_ =	sdelay $0x3  }
0x9c: {  	_ =	strace s4  }
0x9d: {  	_ =	strace $0x8FFFFFFF  }
0x9e: {  	s19 =	sld [smem:$0x3FDB];
	_ =	sdelay $0x1  }
0x9f: {  	s5 =	simm.s32 $_scs_section_size  }
0xa0: {  	s6 =	simm.s32 $_size__tile_overlayer_lowered;
	s7 =	simm.s32 $_tile_overlayer_lowered  }
0xa1: {  	s22 =	simm.s32 $0x1BFF;
	s21 =	sshll.u32 s7, $0x1;
	s4 =	sadd.s32 s5, s19  }
0xa2: {  	s8 =	simm.s32 $0x0;
	s20 =	sshll.u32 s6, $0x1;
	s6 =	sadd.s32 s21, s4  }
0xa3: {  	[timem:s8], [sflag:s22] =	dma.local [hbm:s6], s20  }
0xa4: {  	_ =	swait.ge [sflag:s22], s20  }
0xa5: {  	s5 =	ssub.s32 $0x0, s20;
	[sflag:s22] =	ssyncset.done $0x0  }
0xa6: {  	[sflag:s22] =	ssyncadd.s32 s5;
	_ =	sdelay $0x1  }
0xa7: {  	s23 =	simm.s32 $0x1B8B  }
0xa8: {  	_ =	swait.ge [sflag:s23], $0x1  }
0xa9: {  	[sflag:s23] =	ssyncset.done $0x0  }
0xaa: {  	s25 =	simm.s32 $0x1B8E;
	s24 =	sld [smem:$0x3FFE];
	[sflag:s23] =	ssyncadd.s32 $0xFFFFFFFF  }
0xab: {  	s26 =	simm.s32 $execute0_lowered;
	[smem:$0x3FD2] =	sst s25  }
0xac: {  	s6 =	sshll.u32 s26, $0x1;
	_ =	strace $0x80000046;
	[dreg:$0x1] =	wrdreg $0xFFFFFFFF  }
0xad: {  	s28 =	simm.s32 $_size_execute0_lowered;
	s4 =	sadd.s32 s4, s6;
	[dreg:$0x0] =	wrdreg $0x0  }
0xae: {  	s6 =	sshll.u32 s28, $0x1;
	[dreg:$0x2] =	wrdreg s4  }
0xaf: {  	[dreg:$0x3] =	wrdreg s6  }
0xb0: {  	[dreg:$0x4] =	wrdreg $0xC0  }
0xb1: {  	_ =	task [dreg:s8], $0x5FFFF  }
0xb2: {  	[dreg:$0x1] =	wrdreg $0xFFFFFFFF  }
0xb3: {  	[dreg:$0x0] =	wrdreg $0x60  }
0xb4: {  	[dreg:$0x2] =	wrdreg s16  }
0xb5: {  	[dreg:$0x3] =	wrdreg s17  }
0xb6: {  	[dreg:$0x4] =	wrdreg s24  }
0xb7: {  	[dreg:$0x5] =	wrdreg $0x9  }
0xb8: {  	_ =	task.clear_ibuf [dreg:s8], $0x6FFFF;
	_ =	strace $0x90000046  }
0xb9: {  	s29 =	simm.s32 $0x9;
	_ =	strace $0x80000048  }
0xba: {  	_ =	swait.ge [sflag:s29], $0x1  }
0xbb: {  	[sflag:s29] =	ssyncadd.s32 $0xFFFFFFFF  }
0xbc: {  	_ =	strace $0x90000048  }
0xbd: {  	_ =	sfence  }
0xbe: {  	s30 =	sld [smem:$0x0];
	_ =	sdelay $0x2  }
0xbf: {  	s31 =	sshll.u32 s1, $0xD;
	s1 =	sshrl.u32 s1, $0x2  }
0xc0: {  	s3 =	sand.u32 $0x4000, s31;
	s1 =	sadd.s32 s1, s30  }
0xc1: {  	s0 =	sor.u32 s3, s0;
	s1 =	sshll.u32 s1, $0x11  }
0xc2: {  	s0 =	sor.u32 s1, s0  }
0xc3: {  	s0 =	sadd.s32 $0x8F2B, s0  }
0xc4: {  	[sflag:s0] =	ssyncadd.remote.s32 $0x1  }
0xc5: {  	_ =	sfence.sel $0xFFFF  }
0xc6: {  	[dreg:$0x0] =	wrdreg $0xFFFFFFFF;
	(pc) =	sbr.abs _section_cstart, $3  }
0xc7: {  	[dreg:$0x1] =	wrdreg $0xFFFFFFFF  }
0xc8: {  	_ =	task.clear_ibuf [dreg:s8], $0x2FFFF;
	_ =	strace $0x9FFFFFFF  }
0xc9: {  	(tm) =	ssettm $0x7FFFFFFF  }
tec
execute0_lowered:
.L_overlay_start_1:
0x0: {  	(tag) =	ssettag $0x1  }
0x1: {  	s4 =	rddreg [dreg:$0x0]  }
0x2: {  	s5 =	rddreg [dreg:$0x1]  }
0x3: {  	s6 =	rddreg [dreg:$0x2]  }
0x4: {  	s0 =	rddreg [dreg:$0x3];
	s2 =	simm.s32 $0x0;
	s3 =	srdreg.scid  }
0x5: {  	s1 =	stileid.u32;
	s11 =	simm.s32 $0x880;
	s12 =	simm.s32 $0x1080  }
0x6: {  	s13 =	simm.s32 $0x1880;
	s14 =	simm.s32 $0x2080;
	s15 =	simm.s32 $0x2880  }
0x7: {  	s16 =	simm.s32 $0x3080;
	s17 =	simm.s32 $0x3880;
	s18 =	simm.s32 $0x4080  }
0x8: {  	s19 =	simm.s32 $0x4880;
	s20 =	simm.s32 $0x5080;
	s21 =	simm.s32 $0x5880  }
0x9: {  	s22 =	simm.s32 $0x6080;
	s23 =	simm.s32 $0x6880;
	s24 =	simm.s32 $0x7080  }
0xa: {  	s25 =	simm.s32 $0x7880;
	s26 =	simm.s32 $0x1;
	[smem:$0x7FF] =	sst s2  }
0xb: {  	s7 =	sand.u32 $0x1, s3;
	s8 =	sshll.u32 s1, $0x7;
	s3 =	sadd.s32 $0x1200, s6  }
0xc: {  	s6 =	sadd.s32 $0x1300, s6;
	s9 =	sshll.u32 s7, $0x6;
	s7 =	ssub.s32 $0x2, s7  }
0xd: {  	_ =	strace $0x80000047;
	s8 =	sor.u32 s9, s8;
	s31 =	sshrl.u32 s7, $0x1  }
0xe: {  	v2 =	vlaneseq.u32;
	s10 =	sshll.u32 s8, $0x6;
	s8 =	sshrl.u32 s8, $0x3;
	s9 =	ssub.s32 s7, s31  }
0xf: {  	vm0 =	vmmov $0xffff;
	v1 =	vshrl.u32 v2, $0x3;
	s4 =	sadd.s32 s4, s10;
	s5 =	sadd.s32 s5, s8;
	s8 =	smax.u32 s9, $0x1  }
0x10: {  	v0 =	vand.u32 $0x7, v2;
	v2 =	vor.u32 $0x8, v2;
	v1 =	vmul.u32 $0x8, v1;
	s9 =	simm.s32 $0x80;
	s10 =	simm.s32 $0x2;
	s7 =	sadd.s32 $0x100, s5  }
.LBB2_1:
0x11: {  	[tilespmem:s9], [sflag:$0x2] =	stream.linear.gather [hbm4b:s4+s2], $0x8000, $0x38;
	[tilespmem:$0x8080] =	vst v63  }
0x12: {  	_ =	swait.ge [sflag:s10], $0x8000  }
0x13: {  	[sflag:s10] =	ssyncset.done $0x0  }
0x14: {  	[sflag:s10] =	ssyncadd.s32 $0xFFFF8000  }
0x15: {  	[tilespmem:s2], [sflag:$0x2] =	stream.linear.gather [hbm4b:s5+s2], $0x40, $0x38;
	[tilespmem:$0x8080] =	vst v63  }
0x16: {  	_ =	swait.ge [sflag:s10], $0x40  }
0x17: {  	[sflag:s10] =	ssyncset.done $0x0  }
0x18: {  	[sflag:s10] =	ssyncadd.s32 $0xFFFFFFC0  }
0x19: {  	v3 =	vld [tilespmem:$0x0];
	_ =	sdelay $0x4  }
0x1a: {  	v4 =	vshll.u32 v3, $0x2  }
0x1b: {  	v3 =	vand.u32 $0x7, v3;
	v4 =	vand.u32 $0xFFFFFFE0, v4  }
0x1c: {  	v3 =	vor.u32 v3, v4  }
0x1d: {  	v4 =	vperm.xlane v3, v0;
	_ =	sdelay $0x1  }
0x1e: {  	v4 =	vadd.s32 v1, v4;
	_ =	sdelay $0x1  }
0x1f: {  	v3 =	vperm.xlane v3, v2;
	_ =	sdelay $0x1  }
0x20: {  	v3 =	vadd.s32 v1, v3  }
0x21: {  	[hbm4b:s3+s2] =	stream.indirect_vreg.scatter [tilespmem:s9], [sflag:$0x1], $0x80, v4, vm0, $0xb8;
	[tilespmem:$0x8080] =	vst v63  }
0x22: {  	_ = 	snop  }
0x23: {  	[hbm4b:s6+s2] =	stream.indirect_vreg.scatter [tilespmem:s11], [sflag:$0x1], $0x80, v4, vm0, $0xb8;
	[tilespmem:$0x8080] =	vst v63  }
0x24: {  	_ = 	snop  }
0x25: {  	[hbm4b:s3+s2] =	stream.indirect_vreg.scatter [tilespmem:s12], [sflag:$0x1], $0x80, v3, vm0, $0xb8;
	[tilespmem:$0x8080] =	vst v63  }
0x26: {  	_ = 	snop  }
0x27: {  	[hbm4b:s6+s2] =	stream.indirect_vreg.scatter [tilespmem:s13], [sflag:$0x1], $0x80, v3, vm0, $0xb8;
	[tilespmem:$0x8080] =	vst v63  }
0x28: {  	v3 =	vld [tilespmem:$0x10];
	_ =	sdelay $0x4  }
0x29: {  	v57 =	vshll.u32 v3, $0x2  }
0x2a: {  	v3 =	vand.u32 $0x7, v3;
	v4 =	vand.u32 $0xFFFFFFE0, v57  }
0x2b: {  	v3 =	vor.u32 v3, v4  }
0x2c: {  	v4 =	vperm.xlane v3, v0;
	_ =	sdelay $0x1  }
0x2d: {  	v4 =	vadd.s32 v1, v4;
	_ =	sdelay $0x1  }
0x2e: {  	v3 =	vperm.xlane v3, v2;
	_ =	sdelay $0x1  }
0x2f: {  	v3 =	vadd.s32 v1, v3  }
0x30: {  	[hbm4b:s3+s2] =	stream.indirect_vreg.scatter [tilespmem:s14], [sflag:$0x1], $0x80, v4, vm0, $0xb8;
	[tilespmem:$0x8080] =	vst v63  }
0x31: {  	_ = 	snop  }
0x32: {  	[hbm4b:s6+s2] =	stream.indirect_vreg.scatter [tilespmem:s15], [sflag:$0x1], $0x80, v4, vm0, $0xb8;
	[tilespmem:$0x8080] =	vst v63  }
0x33: {  	_ = 	snop  }
0x34: {  	[hbm4b:s3+s2] =	stream.indirect_vreg.scatter [tilespmem:s16], [sflag:$0x1], $0x80, v3, vm0, $0xb8;
	[tilespmem:$0x8080] =	vst v63  }
0x35: {  	_ = 	snop  }
0x36: {  	[hbm4b:s6+s2] =	stream.indirect_vreg.scatter [tilespmem:s17], [sflag:$0x1], $0x80, v3, vm0, $0xb8;
	[tilespmem:$0x8080] =	vst v63  }
0x37: {  	v3 =	vld [tilespmem:$0x20];
	_ =	sdelay $0x4  }
0x38: {  	v58 =	vshll.u32 v3, $0x2  }
0x39: {  	v3 =	vand.u32 $0x7, v3;
	v4 =	vand.u32 $0xFFFFFFE0, v58  }
0x3a: {  	v3 =	vor.u32 v3, v4  }
0x3b: {  	v4 =	vperm.xlane v3, v0;
	_ =	sdelay $0x1  }
0x3c: {  	v4 =	vadd.s32 v1, v4;
	_ =	sdelay $0x1  }
0x3d: {  	v3 =	vperm.xlane v3, v2;
	_ =	sdelay $0x1  }
0x3e: {  	v3 =	vadd.s32 v1, v3  }
0x3f: {  	[hbm4b:s3+s2] =	stream.indirect_vreg.scatter [tilespmem:s18], [sflag:$0x1], $0x80, v4, vm0, $0xb8;
	[tilespmem:$0x8080] =	vst v63  }
0x40: {  	_ = 	snop  }
0x41: {  	[hbm4b:s6+s2] =	stream.indirect_vreg.scatter [tilespmem:s19], [sflag:$0x1], $0x80, v4, vm0, $0xb8;
	[tilespmem:$0x8080] =	vst v63  }
0x42: {  	_ = 	snop  }
0x43: {  	[hbm4b:s3+s2] =	stream.indirect_vreg.scatter [tilespmem:s20], [sflag:$0x1], $0x80, v3, vm0, $0xb8;
	[tilespmem:$0x8080] =	vst v63  }
0x44: {  	_ = 	snop  }
0x45: {  	[hbm4b:s6+s2] =	stream.indirect_vreg.scatter [tilespmem:s21], [sflag:$0x1], $0x80, v3, vm0, $0xb8;
	[tilespmem:$0x8080] =	vst v63  }
0x46: {  	v3 =	vld [tilespmem:$0x30];
	_ =	sdelay $0x4  }
0x47: {  	v59 =	vshll.u32 v3, $0x2  }
0x48: {  	v3 =	vand.u32 $0x7, v3;
	v4 =	vand.u32 $0xFFFFFFE0, v59  }
0x49: {  	v3 =	vor.u32 v3, v4  }
0x4a: {  	v4 =	vperm.xlane v3, v0;
	_ =	sdelay $0x1  }
0x4b: {  	v4 =	vadd.s32 v1, v4;
	_ =	sdelay $0x1  }
0x4c: {  	v3 =	vperm.xlane v3, v2;
	_ =	sdelay $0x1  }
0x4d: {  	v3 =	vadd.s32 v1, v3  }
0x4e: {  	[hbm4b:s3+s2] =	stream.indirect_vreg.scatter [tilespmem:s22], [sflag:$0x1], $0x80, v4, vm0, $0xb8;
	[tilespmem:$0x8080] =	vst v63  }
0x4f: {  	_ = 	snop  }
0x50: {  	[hbm4b:s6+s2] =	stream.indirect_vreg.scatter [tilespmem:s23], [sflag:$0x1], $0x80, v4, vm0, $0xb8;
	[tilespmem:$0x8080] =	vst v63  }
0x51: {  	_ = 	snop  }
0x52: {  	[hbm4b:s3+s2] =	stream.indirect_vreg.scatter [tilespmem:s24], [sflag:$0x1], $0x80, v3, vm0, $0xb8;
	[tilespmem:$0x8080] =	vst v63  }
0x53: {  	_ = 	snop  }
0x54: {  	[hbm4b:s6+s2] =	stream.indirect_vreg.scatter [tilespmem:s25], [sflag:$0x1], $0x80, v3, vm0, $0xb8;
	[tilespmem:$0x8080] =	vst v63  }
0x55: {  	_ =	swait.ge [sflag:s26], $0x8000  }
0x56: {  	[sflag:s26] =	ssyncset.done $0x0  }
0x57: {  	[sflag:s26] =	ssyncadd.s32 $0xFFFF8000  }
0x58: {  	[tilespmem:s2], [sflag:$0x2] =	stream.linear.gather [hbm4b:s7+s2], $0x40, $0x38;
	[tilespmem:$0x8080] =	vst v63  }
0x59: {  	_ =	swait.ge [sflag:s10], $0x40  }
0x5a: {  	[sflag:s10] =	ssyncset.done $0x0  }
0x5b: {  	[sflag:s10] =	ssyncadd.s32 $0xFFFFFFC0  }
0x5c: {  	v3 =	vld [tilespmem:$0x0];
	_ =	sdelay $0x4  }
0x5d: {  	v60 =	vshll.u32 v3, $0x2  }
0x5e: {  	v3 =	vand.u32 $0x7, v3;
	v4 =	vand.u32 $0xFFFFFFE0, v60  }
0x5f: {  	v3 =	vor.u32 v3, v4  }
0x60: {  	v4 =	vperm.xlane v3, v0;
	_ =	sdelay $0x1  }
0x61: {  	v4 =	vadd.s32 v1, v4;
	_ =	sdelay $0x1  }
0x62: {  	v3 =	vperm.xlane v3, v2;
	_ =	sdelay $0x1  }
0x63: {  	v3 =	vadd.s32 v1, v3  }
0x64: {  	[hbm4b:s3+s2] =	stream.indirect_vreg.scatter [tilespmem:s9], [sflag:$0x1], $0x80, v4, vm0, $0xb8;
	[tilespmem:$0x8080] =	vst v63  }
0x65: {  	_ = 	snop  }
0x66: {  	[hbm4b:s6+s2] =	stream.indirect_vreg.scatter [tilespmem:s11], [sflag:$0x1], $0x80, v4, vm0, $0xb8;
	[tilespmem:$0x8080] =	vst v63  }
0x67: {  	_ = 	snop  }
0x68: {  	[hbm4b:s3+s2] =	stream.indirect_vreg.scatter [tilespmem:s12], [sflag:$0x1], $0x80, v3, vm0, $0xb8;
	[tilespmem:$0x8080] =	vst v63  }
0x69: {  	_ = 	snop  }
0x6a: {  	[hbm4b:s6+s2] =	stream.indirect_vreg.scatter [tilespmem:s13], [sflag:$0x1], $0x80, v3, vm0, $0xb8;
	[tilespmem:$0x8080] =	vst v63  }
0x6b: {  	v3 =	vld [tilespmem:$0x10];
	_ =	sdelay $0x4  }
0x6c: {  	v61 =	vshll.u32 v3, $0x2  }
0x6d: {  	v3 =	vand.u32 $0x7, v3;
	v4 =	vand.u32 $0xFFFFFFE0, v61  }
0x6e: {  	v3 =	vor.u32 v3, v4  }
0x6f: {  	v4 =	vperm.xlane v3, v0;
	_ =	sdelay $0x1  }
0x70: {  	v4 =	vadd.s32 v1, v4;
	_ =	sdelay $0x1  }
0x71: {  	v3 =	vperm.xlane v3, v2;
	_ =	sdelay $0x1  }
0x72: {  	v3 =	vadd.s32 v1, v3  }
0x73: {  	[hbm4b:s3+s2] =	stream.indirect_vreg.scatter [tilespmem:s14], [sflag:$0x1], $0x80, v4, vm0, $0xb8;
	[tilespmem:$0x8080] =	vst v63  }
0x74: {  	_ = 	snop  }
0x75: {  	[hbm4b:s6+s2] =	stream.indirect_vreg.scatter [tilespmem:s15], [sflag:$0x1], $0x80, v4, vm0, $0xb8;
	[tilespmem:$0x8080] =	vst v63  }
0x76: {  	_ = 	snop  }
0x77: {  	[hbm4b:s3+s2] =	stream.indirect_vreg.scatter [tilespmem:s16], [sflag:$0x1], $0x80, v3, vm0, $0xb8;
	[tilespmem:$0x8080] =	vst v63  }
0x78: {  	_ = 	snop  }
0x79: {  	[hbm4b:s6+s2] =	stream.indirect_vreg.scatter [tilespmem:s17], [sflag:$0x1], $0x80, v3, vm0, $0xb8;
	[tilespmem:$0x8080] =	vst v63  }
0x7a: {  	v3 =	vld [tilespmem:$0x20];
	_ =	sdelay $0x4  }
0x7b: {  	v62 =	vshll.u32 v3, $0x2  }
0x7c: {  	v3 =	vand.u32 $0x7, v3;
	v4 =	vand.u32 $0xFFFFFFE0, v62  }
0x7d: {  	v3 =	vor.u32 v3, v4  }
0x7e: {  	v4 =	vperm.xlane v3, v0;
	_ =	sdelay $0x1  }
0x7f: {  	v4 =	vadd.s32 v1, v4;
	_ =	sdelay $0x1  }
0x80: {  	v3 =	vperm.xlane v3, v2;
	_ =	sdelay $0x1  }
0x81: {  	v3 =	vadd.s32 v1, v3  }
0x82: {  	[hbm4b:s3+s2] =	stream.indirect_vreg.scatter [tilespmem:s18], [sflag:$0x1], $0x80, v4, vm0, $0xb8;
	[tilespmem:$0x8080] =	vst v63  }
0x83: {  	_ = 	snop  }
0x84: {  	[hbm4b:s6+s2] =	stream.indirect_vreg.scatter [tilespmem:s19], [sflag:$0x1], $0x80, v4, vm0, $0xb8;
	[tilespmem:$0x8080] =	vst v63  }
0x85: {  	_ = 	snop  }
0x86: {  	[hbm4b:s3+s2] =	stream.indirect_vreg.scatter [tilespmem:s20], [sflag:$0x1], $0x80, v3, vm0, $0xb8;
	[tilespmem:$0x8080] =	vst v63  }
0x87: {  	_ = 	snop  }
0x88: {  	[hbm4b:s6+s2] =	stream.indirect_vreg.scatter [tilespmem:s21], [sflag:$0x1], $0x80, v3, vm0, $0xb8;
	[tilespmem:$0x8080] =	vst v63  }
0x89: {  	v3 =	vld [tilespmem:$0x30];
	_ =	sdelay $0x4  }
0x8a: {  	v63 =	vshll.u32 v3, $0x2  }
0x8b: {  	v3 =	vand.u32 $0x7, v3;
	v4 =	vand.u32 $0xFFFFFFE0, v63  }
0x8c: {  	v3 =	vor.u32 v3, v4  }
0x8d: {  	v4 =	vperm.xlane v3, v0;
	_ =	sdelay $0x1  }
0x8e: {  	v4 =	vadd.s32 v1, v4;
	_ =	sdelay $0x1  }
0x8f: {  	v3 =	vperm.xlane v3, v2;
	_ =	sdelay $0x1  }
0x90: {  	v3 =	vadd.s32 v1, v3  }
0x91: {  	[hbm4b:s3+s2] =	stream.indirect_vreg.scatter [tilespmem:s22], [sflag:$0x1], $0x80, v4, vm0, $0xb8;
	[tilespmem:$0x8080] =	vst v63  }
0x92: {  	_ = 	snop  }
0x93: {  	[hbm4b:s6+s2] =	stream.indirect_vreg.scatter [tilespmem:s23], [sflag:$0x1], $0x80, v4, vm0, $0xb8;
	[tilespmem:$0x8080] =	vst v63  }
0x94: {  	p0 =	sne.s32 s8, $0x1  }
0x95: {  	[hbm4b:s3+s2] =	stream.indirect_vreg.scatter [tilespmem:s24], [sflag:$0x1], $0x80, v3, vm0, $0xb8;
	[tilespmem:$0x8080] =	vst v63  }
.Ltmp0:
0x96: {  	_ = 	snop;
	(pc) =	sbr.rel @p0 .LBB2_1-.Ltmp0, $4  }
0x97: {  	[hbm4b:s6+s2] =	stream.indirect_vreg.scatter [tilespmem:s25], [sflag:$0x1], $0x80, v3, vm0, $0xb8;
	[tilespmem:$0x8080] =	vst v63  }
0x98: {  	_ =	swait.ge [sflag:s26], $0x8000  }
0x99: {  	[sflag:s26] =	ssyncset.done $0x0  }
0x9a: {  	s8 =	sadd.s32 $0xFFFFFFFF, s8;
	[sflag:s26] =	ssyncadd.s32 $0xFFFF8000  }
0x9b: {  	_ =	sfence.sel $0x180000  }
0x9c: {  	[bflag:$0x0] =	sbarrier.arrive $0xFFFF  }
0x9d: {  	p0 =	sne.s32 s1, $0x0;
	_ =	strace $0x90000047  }
0x9e: {  	s0 =	sadd.s32 @!p0 $0x100000, s0;
	[bflag:$0x2] =	sbarrier.arrive $0xFFFF  }
0x9f: {  	[sflag:s0] =	ssyncadd.tile.s32 @!p0 $0x1;
	_ =	shalt  }
.Lfunc_end2:
_tile_overlayer_lowered:
.L_overlay_start_2:
0xa0: {  	(tag) =	ssettag $0x2  }
0xa1: {  	s0 =	rddreg [dreg:$0x0];
	s2 =	stileid.u32  }
0xa2: {  	s1 =	rddreg [dreg:$0x1];
	p0 =	sne.s32 s2, $0x0  }
0xa3: {  	s3 =	rddreg [dreg:$0x2];
	[bflag:$0x3] =	sbarrier.arrive $0xFFFF;
	s2 =	simm.s32 @!p0 $0x1C02  }
0xa4: {  	[timem:s3], [sflag:s2] =	dma.local @!p0 [hbm:s0], s1  }
0xa5: {  	s0 =	simm.s32 @!p0 $0x2  }
0xa6: {  	_ =	swait.ge @!p0 [sflag:s0], s1  }
0xa7: {  	s1 =	ssub.s32 @!p0 $0x0, s1;
	[sflag:s0] =	ssyncset.done @!p0 $0x0  }
0xa8: {  	[sflag:s0] =	ssyncadd.s32 @!p0 s1  }
0xa9: {  	[bflag:$0x3] =	sbarrier.arrive $0xFFFF  }
0xaa: {  	_ =	shalt  }

</sc_bundles>
